<compile_context>
chip_gen: v7x
topology: tpu7x:2x2x1
jax: 0.10.2.dev20260603
libtpu: 0.0.44.dev20260713+nightly
codegen_flags: <defaults>
</compile_context>

<pallas_src>
import functools

import jax
import jax.numpy as jnp
from jax import lax
from jax.experimental import pallas as pl
from jax.experimental.pallas import tpu as pltpu
from jax.experimental.pallas import tpu_sc as plsc

TOP_K_SEL = 300


def _scores_body(x_ref, o_ref):
    o_ref[0, 0, 0, :] = jnp.max(x_ref[...], axis=-1)[0]


def _scores(class_logits):
    b, n, c = class_logits.shape
    tn = 2000
    out = pl.pallas_call(
        _scores_body,
        grid=(b, n // tn),
        in_specs=[pl.BlockSpec((1, tn, c), lambda bi, i: (bi, i, 0))],
        out_specs=pl.BlockSpec((1, 1, 1, tn), lambda bi, i: (bi, i, 0, 0)),
        out_shape=jax.ShapeDtypeStruct((b, n // tn, 1, tn), jnp.float32),
    )(class_logits)
    return out.reshape(b, n)


def _sc_gather(idx_pad, mem2, log2, geo2, nw, npad):
    d1, d2, d3 = mem2.shape[1], log2.shape[1], geo2.shape[1]
    rows = idx_pad.shape[0]
    mesh = plsc.VectorSubcoreMesh(core_axis_name="c", subcore_axis_name="s")

    @functools.partial(
        pl.kernel,
        mesh=mesh,
        out_type=(
            jax.ShapeDtypeStruct((rows, d1), jnp.float32),
            jax.ShapeDtypeStruct((rows, d2), jnp.float32),
            jax.ShapeDtypeStruct((rows, d3), jnp.float32),
        ),
        scratch_types=[
            pltpu.VMEM((npad,), jnp.int32),
            pltpu.VMEM((npad, d1), jnp.float32),
            pltpu.VMEM((npad, d2), jnp.float32),
            pltpu.VMEM((npad, d3), jnp.float32),
            pltpu.SemaphoreType.DMA,
            pltpu.SemaphoreType.DMA,
            pltpu.SemaphoreType.DMA,
        ],
    )
    def k(idx_hbm, mem_hbm, log_hbm, geo_hbm, o1, o2, o3,
          idx_v, r1, r2, r3, s1, s2, s3):
        wid = lax.axis_index("s") * 2 + lax.axis_index("c")
        base = wid * npad
        pltpu.sync_copy(idx_hbm.at[pl.ds(base, npad)], idx_v)
        c1 = pltpu.async_copy(mem_hbm.at[idx_v], r1, s1)

        def fire(c, _):
            vec = idx_v[pl.ds(c * 16, 16)]
            for l in range(16):
                j = c * 16 + l
                row = vec[l]
                pltpu.async_copy(log_hbm.at[row], r2.at[j], s2)
                pltpu.async_copy(geo_hbm.at[row], r3.at[j], s3)
            return 0

        lax.fori_loop(0, npad // 16, fire, 0)

        def drain(j, _):
            pltpu.make_async_copy(log_hbm.at[0], r2.at[j], s2).wait()
            pltpu.make_async_copy(geo_hbm.at[0], r3.at[j], s3).wait()
            return 0

        lax.fori_loop(0, npad, drain, 0)
        c1.wait()
        pltpu.sync_copy(r1, o1.at[pl.ds(base, npad)])
        pltpu.sync_copy(r2, o2.at[pl.ds(base, npad)])
        pltpu.sync_copy(r3, o3.at[pl.ds(base, npad)])

    return k(idx_pad, mem2, log2, geo2)


def kernel(memory, class_logits, geometry_logits):
    b, n, d1 = memory.shape
    d2 = class_logits.shape[2]
    d3 = geometry_logits.shape[2]
    k = TOP_K_SEL

    scores = _scores(class_logits)
    _, topk_ind = lax.top_k(scores, k)

    info = plsc.get_sparse_core_info()
    nw = info.num_cores * info.num_subcores
    kw = (b * k) // nw
    npad = ((kw + 7) // 8) * 8
    flat = (topk_ind + (jnp.arange(b, dtype=jnp.int32) * n)[:, None]).astype(jnp.int32)
    flat = flat.reshape(nw, kw)
    padv = jnp.broadcast_to((jnp.arange(nw, dtype=jnp.int32) * 64)[:, None], (nw, npad - kw))
    idx_pad = jnp.concatenate([flat, padv], axis=1).reshape(nw * npad)

    mem2 = memory.reshape(b * n, d1)
    log2 = class_logits.reshape(b * n, d2)
    geo2 = geometry_logits.reshape(b * n, d3)

    o1, o2, o3 = _sc_gather(idx_pad, mem2, log2, geo2, nw, npad)
    o1 = o1.reshape(nw, npad, d1)[:, :kw].reshape(b, k, d1)
    o2 = o2.reshape(nw, npad, d2)[:, :kw].reshape(b, k, d2)
    o3 = o3.reshape(nw, npad, d3)[:, :kw].reshape(b, k, d3)
    return (o1, o2, o3)

# --- scband reference (transcript-rebuilt; emitter-appended) ---
"""Pipeline reference for scband-anchor-selector-16733192585220 (READ-ONLY COPY).

The authoritative reference and input builder live on the scoring server;
editing this copy changes nothing except your own understanding.
"""

import jax, jax.numpy as jnp
import numpy as np

TOP_K = 300

def setup_inputs(seed: int = 0) -> dict:
    key = jax.random.key(seed)
    k1, k2, k3 = jax.random.split(key, 3)
    memory = jax.random.normal(k1, (8, 20000, 256), dtype=jnp.float32)
    class_logits = jax.random.normal(k2, (8, 20000, 91), dtype=jnp.float32)
    geometry_logits = jax.random.normal(k3, (8, 20000, 4), dtype=jnp.float32)
    return {"memory": memory, "class_logits": class_logits, "geometry_logits": geometry_logits}

def reference(memory, class_logits, geometry_logits):
    # max over class dim -> per-token score
    max_class_logits = jnp.max(class_logits, axis=-1)  # [B, N]
    _, topk_ind = jax.lax.top_k(max_class_logits, TOP_K)  # [B, K]
    ixs = topk_ind[:, :, None]  # [B, K, 1]
    topk_coords = jnp.take_along_axis(geometry_logits, ixs, axis=1)  # [B, K, 4]
    topk_logits = jnp.take_along_axis(class_logits, ixs, axis=1)     # [B, K, 91]
    topk_memory = jnp.take_along_axis(memory, ixs, axis=1)           # [B, K, 256]
    return (topk_memory, topk_logits, topk_coords)

if __name__ == "__main__":
    import jax
    _d = setup_inputs()
    print(jax.jit(kernel)(*tuple(_d.values())))

</pallas_src>

<mosaic_0001>
#map = affine_map<(d0, d1) -> (0)>
#map1 = affine_map<(d0, d1) -> (0, 0)>
module attributes {stable_mosaic.version = 14 : i64} {
  func.func @k(%arg0: i32, %arg1: i32, %arg2: memref<2560xi32, #tpu.memory_space<hbm>>, %arg3: memref<160000x256xf32, #tpu.memory_space<hbm>>, %arg4: memref<160000x91xf32, #tpu.memory_space<hbm>>, %arg5: memref<160000x4xf32, #tpu.memory_space<hbm>>, %arg6: memref<2560x256xf32, #tpu.memory_space<hbm>>, %arg7: memref<2560x91xf32, #tpu.memory_space<hbm>>, %arg8: memref<2560x4xf32, #tpu.memory_space<hbm>>, %arg9: memref<80xi32, #tpu.memory_space<vmem>>, %arg10: memref<80x256xf32, #tpu.memory_space<vmem>>, %arg11: memref<80x91xf32, #tpu.memory_space<vmem>>, %arg12: memref<80x4xf32, #tpu.memory_space<vmem>>, %arg13: memref<!tpu.dma_semaphore, #tpu.memory_space<semaphore_mem>>, %arg14: memref<!tpu.dma_semaphore, #tpu.memory_space<semaphore_mem>>, %arg15: memref<!tpu.dma_semaphore, #tpu.memory_space<semaphore_mem>>) attributes {dimension_semantics = [#tpu.dimension_semantics<core_parallel>, #tpu.dimension_semantics<subcore_parallel>], iteration_bounds = array<i64: 2, 16>, scalar_prefetch = 0 : i64, scratch_operands = 7 : i64, tpu.core_type = #tpu.core_type<sc_vector_subcore>, window_params = [{transform_indices = #map}, {transform_indices = #map1}, {transform_indices = #map1}, {transform_indices = #map1}, {transform_indices = #map1}, {transform_indices = #map1}, {transform_indices = #map1}]} {
    %mul3A = arith.constant 2 : i32
    %mul3A_0 = arith.muli %arg1, %mul3A : i32
    %add3A = arith.addi %mul3A_0, %arg0 : i32
    %mul3A_1 = arith.constant 80 : i32
    %mul3A_2 = arith.muli %add3A, %mul3A_1 : i32
    "tpu.region"() ({
      %run_scoped3A = tpu.sem_alloc : memref<!tpu.dma_semaphore, #tpu.memory_space<semaphore_mem>>
      %dma_start3A_20 = tpu.memref_slice %arg2[%mul3A_2] : memref<2560xi32, #tpu.memory_space<hbm>> -> memref<80xi32, #tpu.memory_space<hbm>>
      %dma_start3A_21 = tpu.memref_slice %arg2[%mul3A_2] : memref<2560xi32, #tpu.memory_space<hbm>> -> memref<80xi32, #tpu.memory_space<hbm>>
      tpu.enqueue_dma source(%dma_start3A_21 : memref<80xi32, #tpu.memory_space<hbm>>) target(%arg9 : memref<80xi32, #tpu.memory_space<vmem>>) target_semaphore(%run_scoped3A : memref<!tpu.dma_semaphore, #tpu.memory_space<semaphore_mem>>)
      %dma_wait3A_22 = tpu.memref_slice %arg2[%mul3A_2] : memref<2560xi32, #tpu.memory_space<hbm>> -> memref<80xi32, #tpu.memory_space<hbm>>
      %dma_wait3A_23 = tpu.memref_slice %arg2[%mul3A_2] : memref<2560xi32, #tpu.memory_space<hbm>> -> memref<80xi32, #tpu.memory_space<hbm>>
      tpu.wait_dma2 semaphore(%run_scoped3A : memref<!tpu.dma_semaphore, #tpu.memory_space<semaphore_mem>>) src(%dma_wait3A_23 : memref<80xi32, #tpu.memory_space<hbm>>) dst(%arg9 : memref<80xi32, #tpu.memory_space<vmem>>)
      tpu.yield
    }) : () -> ()
    %dma_start3A = arith.constant 0 : i32
    %dma_start3A_3 = arith.constant 0 : i32
    %dma_start3A_4 = tpu.memref_slice %arg3[%dma_start3A, %dma_start3A_3] : memref<160000x256xf32, #tpu.memory_space<hbm>> -> memref<160000x256xf32, #tpu.memory_space<hbm>>
    tpu.enqueue_indirect_dma source(%dma_start3A_4 : memref<160000x256xf32, #tpu.memory_space<hbm>>) target(%arg10 : memref<80x256xf32, #tpu.memory_space<vmem>>) offsets(%arg9 : memref<80xi32, #tpu.memory_space<vmem>>) semaphore(%arg13 : memref<!tpu.dma_semaphore, #tpu.memory_space<semaphore_mem>>)
    %scan3A = arith.constant 0 : i32
    %scan3A_5 = arith.constant 0 : i32
    %scan3A_6 = arith.constant 5 : i32
    %scan3A_7 = arith.addi %scan3A_5, %scan3A_6 : i32
    %scan3A_8 = arith.constant 1 : i32
    %scan3A_9 = scf.for %scan3A_20 = %scan3A_5 to %scan3A_7 step %scan3A_8 iter_args(%scan3A_21 = %scan3A) -> (i32)  : i32 {
      %mul3A_22 = arith.constant 16 : i32
      %mul3A_23 = arith.muli %scan3A_20, %mul3A_22 : i32
      %get3A = arith.index_cast %mul3A_23 : i32 to index
      %get3A_24 = tpu.vector_load %arg9[%get3A] {strides = array<i32>} : memref<80xi32, #tpu.memory_space<vmem>>, vector<16xi32>,
      %get3A_25 = vector.shape_cast %get3A_24 : vector<16xi32> to vector<16xi32>
      %mul3A_26 = arith.constant 16 : i32
      %mul3A_27 = arith.muli %scan3A_20, %mul3A_26 : i32
      %add3A_28 = arith.constant 0 : i32
      %add3A_29 = arith.addi %mul3A_27, %add3A_28 : i32
      %slice3A = vector.extract_strided_slice %get3A_25 {offsets = [0], sizes = [1], strides = [1]} : vector<16xi32> to vector<1xi32>
      %squeeze3A = vector.extract %slice3A[0] : i32 from vector<1xi32>
      %dma_start3A_30 = arith.constant 0 : i32
      %dma_start3A_31 = tpu.memref_slice %arg11[%add3A_29, %dma_start3A_30] : memref<80x91xf32, #tpu.memory_space<vmem>> -> memref<1x91xf32, #tpu.memory_space<vmem>>
      %dma_start3A_32 = tpu.memref_squeeze %dma_start3A_31 : memref<1x91xf32, #tpu.memory_space<vmem>> -> memref<91xf32, #tpu.memory_space<vmem>>
      %dma_start3A_33 = arith.constant 0 : i32
      %dma_start3A_34 = tpu.memref_slice %arg4[%squeeze3A, %dma_start3A_33] : memref<160000x91xf32, #tpu.memory_space<hbm>> -> memref<1x91xf32, #tpu.memory_space<hbm>>
      %dma_start3A_35 = tpu.memref_squeeze %dma_start3A_34 : memref<1x91xf32, #tpu.memory_space<hbm>> -> memref<91xf32, #tpu.memory_space<hbm>>
      %dma_start3A_36 = arith.constant 0 : i32
      %dma_start3A_37 = tpu.memref_slice %arg11[%add3A_29, %dma_start3A_36] : memref<80x91xf32, #tpu.memory_space<vmem>> -> memref<1x91xf32, #tpu.memory_space<vmem>>
      %dma_start3A_38 = tpu.memref_squeeze %dma_start3A_37 : memref<1x91xf32, #tpu.memory_space<vmem>> -> memref<91xf32, #tpu.memory_space<vmem>>
      %dma_start3A_39 = arith.constant 0 : i32
      %dma_start3A_40 = tpu.memref_slice %arg4[%squeeze3A, %dma_start3A_39] : memref<160000x91xf32, #tpu.memory_space<hbm>> -> memref<1x91xf32, #tpu.memory_space<hbm>>
      %dma_start3A_41 = tpu.memref_squeeze %dma_start3A_40 : memref<1x91xf32, #tpu.memory_space<hbm>> -> memref<91xf32, #tpu.memory_space<hbm>>
      tpu.enqueue_dma source(%dma_start3A_41 : memref<91xf32, #tpu.memory_space<hbm>>) target(%dma_start3A_38 : memref<91xf32, #tpu.memory_space<vmem>>) target_semaphore(%arg14 : memref<!tpu.dma_semaphore, #tpu.memory_space<semaphore_mem>>)
      %dma_start3A_42 = arith.constant 0 : i32
      %dma_start3A_43 = tpu.memref_slice %arg12[%add3A_29, %dma_start3A_42] : memref<80x4xf32, #tpu.memory_space<vmem>> -> memref<1x4xf32, #tpu.memory_space<vmem>>
      %dma_start3A_44 = tpu.memref_squeeze %dma_start3A_43 : memref<1x4xf32, #tpu.memory_space<vmem>> -> memref<4xf32, #tpu.memory_space<vmem>>
      %dma_start3A_45 = arith.constant 0 : i32
      %dma_start3A_46 = tpu.memref_slice %arg5[%squeeze3A, %dma_start3A_45] : memref<160000x4xf32, #tpu.memory_space<hbm>> -> memref<1x4xf32, #tpu.memory_space<hbm>>
      %dma_start3A_47 = tpu.memref_squeeze %dma_start3A_46 : memref<1x4xf32, #tpu.memory_space<hbm>> -> memref<4xf32, #tpu.memory_space<hbm>>
      %dma_start3A_48 = arith.constant 0 : i32
      %dma_start3A_49 = tpu.memref_slice %arg12[%add3A_29, %dma_start3A_48] : memref<80x4xf32, #tpu.memory_space<vmem>> -> memref<1x4xf32, #tpu.memory_space<vmem>>
      %dma_start3A_50 = tpu.memref_squeeze %dma_start3A_49 : memref<1x4xf32, #tpu.memory_space<vmem>> -> memref<4xf32, #tpu.memory_space<vmem>>
      %dma_start3A_51 = arith.constant 0 : i32
      %dma_start3A_52 = tpu.memref_slice %arg5[%squeeze3A, %dma_start3A_51] : memref<160000x4xf32, #tpu.memory_space<hbm>> -> memref<1x4xf32, #tpu.memory_space<hbm>>
      %dma_start3A_53 = tpu.memref_squeeze %dma_start3A_52 : memref<1x4xf32, #tpu.memory_space<hbm>> -> memref<4xf32, #tpu.memory_space<hbm>>
      tpu.enqueue_dma source(%dma_start3A_53 : memref<4xf32, #tpu.memory_space<hbm>>) target(%dma_start3A_50 : memref<4xf32, #tpu.memory_space<vmem>>) target_semaphore(%arg15 : memref<!tpu.dma_semaphore, #tpu.memory_space<semaphore_mem>>)
      %mul3A_54 = arith.constant 16 : i32
      %mul3A_55 = arith.muli %scan3A_20, %mul3A_54 : i32
      %add3A_56 = arith.constant 1 : i32
      %add3A_57 = arith.addi %mul3A_55, %add3A_56 : i32
      %slice3A_58 = vector.extract_strided_slice %get3A_25 {offsets = [1], sizes = [1], strides = [1]} : vector<16xi32> to vector<1xi32>
      %squeeze3A_59 = vector.extract %slice3A_58[0] : i32 from vector<1xi32>
      %dma_start3A_60 = arith.constant 0 : i32
      %dma_start3A_61 = tpu.memref_slice %arg11[%add3A_57, %dma_start3A_60] : memref<80x91xf32, #tpu.memory_space<vmem>> -> memref<1x91xf32, #tpu.memory_space<vmem>>
      %dma_start3A_62 = tpu.memref_squeeze %dma_start3A_61 : memref<1x91xf32, #tpu.memory_space<vmem>> -> memref<91xf32, #tpu.memory_space<vmem>>
      %dma_start3A_63 = arith.constant 0 : i32
      %dma_start3A_64 = tpu.memref_slice %arg4[%squeeze3A_59, %dma_start3A_63] : memref<160000x91xf32, #tpu.memory_space<hbm>> -> memref<1x91xf32, #tpu.memory_space<hbm>>
      %dma_start3A_65 = tpu.memref_squeeze %dma_start3A_64 : memref<1x91xf32, #tpu.memory_space<hbm>> -> memref<91xf32, #tpu.memory_space<hbm>>
      %dma_start3A_66 = arith.constant 0 : i32
      %dma_start3A_67 = tpu.memref_slice %arg11[%add3A_57, %dma_start3A_66] : memref<80x91xf32, #tpu.memory_space<vmem>> -> memref<1x91xf32, #tpu.memory_space<vmem>>
      %dma_start3A_68 = tpu.memref_squeeze %dma_start3A_67 : memref<1x91xf32, #tpu.memory_space<vmem>> -> memref<91xf32, #tpu.memory_space<vmem>>
      %dma_start3A_69 = arith.constant 0 : i32
      %dma_start3A_70 = tpu.memref_slice %arg4[%squeeze3A_59, %dma_start3A_69] : memref<160000x91xf32, #tpu.memory_space<hbm>> -> memref<1x91xf32, #tpu.memory_space<hbm>>
      %dma_start3A_71 = tpu.memref_squeeze %dma_start3A_70 : memref<1x91xf32, #tpu.memory_space<hbm>> -> memref<91xf32, #tpu.memory_space<hbm>>
      tpu.enqueue_dma source(%dma_start3A_71 : memref<91xf32, #tpu.memory_space<hbm>>) target(%dma_start3A_68 : memref<91xf32, #tpu.memory_space<vmem>>) target_semaphore(%arg14 : memref<!tpu.dma_semaphore, #tpu.memory_space<semaphore_mem>>)
      %dma_start3A_72 = arith.constant 0 : i32
      %dma_start3A_73 = tpu.memref_slice %arg12[%add3A_57, %dma_start3A_72] : memref<80x4xf32, #tpu.memory_space<vmem>> -> memref<1x4xf32, #tpu.memory_space<vmem>>
      %dma_start3A_74 = tpu.memref_squeeze %dma_start3A_73 : memref<1x4xf32, #tpu.memory_space<vmem>> -> memref<4xf32, #tpu.memory_space<vmem>>
      %dma_start3A_75 = arith.constant 0 : i32
      %dma_start3A_76 = tpu.memref_slice %arg5[%squeeze3A_59, %dma_start3A_75] : memref<160000x4xf32, #tpu.memory_space<hbm>> -> memref<1x4xf32, #tpu.memory_space<hbm>>
      %dma_start3A_77 = tpu.memref_squeeze %dma_start3A_76 : memref<1x4xf32, #tpu.memory_space<hbm>> -> memref<4xf32, #tpu.memory_space<hbm>>
      %dma_start3A_78 = arith.constant 0 : i32
      %dma_start3A_79 = tpu.memref_slice %arg12[%add3A_57, %dma_start3A_78] : memref<80x4xf32, #tpu.memory_space<vmem>> -> memref<1x4xf32, #tpu.memory_space<vmem>>
      %dma_start3A_80 = tpu.memref_squeeze %dma_start3A_79 : memref<1x4xf32, #tpu.memory_space<vmem>> -> memref<4xf32, #tpu.memory_space<vmem>>
      %dma_start3A_81 = arith.constant 0 : i32
      %dma_start3A_82 = tpu.memref_slice %arg5[%squeeze3A_59, %dma_start3A_81] : memref<160000x4xf32, #tpu.memory_space<hbm>> -> memref<1x4xf32, #tpu.memory_space<hbm>>
      %dma_start3A_83 = tpu.memref_squeeze %dma_start3A_82 : memref<1x4xf32, #tpu.memory_space<hbm>> -> memref<4xf32, #tpu.memory_space<hbm>>
      tpu.enqueue_dma source(%dma_start3A_83 : memref<4xf32, #tpu.memory_space<hbm>>) target(%dma_start3A_80 : memref<4xf32, #tpu.memory_space<vmem>>) target_semaphore(%arg15 : memref<!tpu.dma_semaphore, #tpu.memory_space<semaphore_mem>>)
      %mul3A_84 = arith.constant 16 : i32
      %mul3A_85 = arith.muli %scan3A_20, %mul3A_84 : i32
      %add3A_86 = arith.constant 2 : i32
      %add3A_87 = arith.addi %mul3A_85, %add3A_86 : i32
      %slice3A_88 = vector.extract_strided_slice %get3A_25 {offsets = [2], sizes = [1], strides = [1]} : vector<16xi32> to vector<1xi32>
      %squeeze3A_89 = vector.extract %slice3A_88[0] : i32 from vector<1xi32>
      %dma_start3A_90 = arith.constant 0 : i32
      %dma_start3A_91 = tpu.memref_slice %arg11[%add3A_87, %dma_start3A_90] : memref<80x91xf32, #tpu.memory_space<vmem>> -> memref<1x91xf32, #tpu.memory_space<vmem>>
      %dma_start3A_92 = tpu.memref_squeeze %dma_start3A_91 : memref<1x91xf32, #tpu.memory_space<vmem>> -> memref<91xf32, #tpu.memory_space<vmem>>
      %dma_start3A_93 = arith.constant 0 : i32
      %dma_start3A_94 = tpu.memref_slice %arg4[%squeeze3A_89, %dma_start3A_93] : memref<160000x91xf32, #tpu.memory_space<hbm>> -> memref<1x91xf32, #tpu.memory_space<hbm>>
      %dma_start3A_95 = tpu.memref_squeeze %dma_start3A_94 : memref<1x91xf32, #tpu.memory_space<hbm>> -> memref<91xf32, #tpu.memory_space<hbm>>
      %dma_start3A_96 = arith.constant 0 : i32
      %dma_start3A_97 = tpu.memref_slice %arg11[%add3A_87, %dma_start3A_96] : memref<80x91xf32, #tpu.memory_space<vmem>> -> memref<1x91xf32, #tpu.memory_space<vmem>>
      %dma_start3A_98 = tpu.memref_squeeze %dma_start3A_97 : memref<1x91xf32, #tpu.memory_space<vmem>> -> memref<91xf32, #tpu.memory_space<vmem>>
      %dma_start3A_99 = arith.constant 0 : i32
      %dma_start3A_100 = tpu.memref_slice %arg4[%squeeze3A_89, %dma_start3A_99] : memref<160000x91xf32, #tpu.memory_space<hbm>> -> memref<1x91xf32, #tpu.memory_space<hbm>>
      %dma_start3A_101 = tpu.memref_squeeze %dma_start3A_100 : memref<1x91xf32, #tpu.memory_space<hbm>> -> memref<91xf32, #tpu.memory_space<hbm>>
      tpu.enqueue_dma source(%dma_start3A_101 : memref<91xf32, #tpu.memory_space<hbm>>) target(%dma_start3A_98 : memref<91xf32, #tpu.memory_space<vmem>>) target_semaphore(%arg14 : memref<!tpu.dma_semaphore, #tpu.memory_space<semaphore_mem>>)
      %dma_start3A_102 = arith.constant 0 : i32
      %dma_start3A_103 = tpu.memref_slice %arg12[%add3A_87, %dma_start3A_102] : memref<80x4xf32, #tpu.memory_space<vmem>> -> memref<1x4xf32, #tpu.memory_space<vmem>>
      %dma_start3A_104 = tpu.memref_squeeze %dma_start3A_103 : memref<1x4xf32, #tpu.memory_space<vmem>> -> memref<4xf32, #tpu.memory_space<vmem>>
      %dma_start3A_105 = arith.constant 0 : i32
      %dma_start3A_106 = tpu.memref_slice %arg5[%squeeze3A_89, %dma_start3A_105] : memref<160000x4xf32, #tpu.memory_space<hbm>> -> memref<1x4xf32, #tpu.memory_space<hbm>>
      %dma_start3A_107 = tpu.memref_squeeze %dma_start3A_106 : memref<1x4xf32, #tpu.memory_space<hbm>> -> memref<4xf32, #tpu.memory_space<hbm>>
      %dma_start3A_108 = arith.constant 0 : i32
      %dma_start3A_109 = tpu.memref_slice %arg12[%add3A_87, %dma_start3A_108] : memref<80x4xf32, #tpu.memory_space<vmem>> -> memref<1x4xf32, #tpu.memory_space<vmem>>
      %dma_start3A_110 = tpu.memref_squeeze %dma_start3A_109 : memref<1x4xf32, #tpu.memory_space<vmem>> -> memref<4xf32, #tpu.memory_space<vmem>>
      %dma_start3A_111 = arith.constant 0 : i32
      %dma_start3A_112 = tpu.memref_slice %arg5[%squeeze3A_89, %dma_start3A_111] : memref<160000x4xf32, #tpu.memory_space<hbm>> -> memref<1x4xf32, #tpu.memory_space<hbm>>
      %dma_start3A_113 = tpu.memref_squeeze %dma_start3A_112 : memref<1x4xf32, #tpu.memory_space<hbm>> -> memref<4xf32, #tpu.memory_space<hbm>>
      tpu.enqueue_dma source(%dma_start3A_113 : memref<4xf32, #tpu.memory_space<hbm>>) target(%dma_start3A_110 : memref<4xf32, #tpu.memory_space<vmem>>) target_semaphore(%arg15 : memref<!tpu.dma_semaphore, #tpu.memory_space<semaphore_mem>>)
      %mul3A_114 = arith.constant 16 : i32
      %mul3A_115 = arith.muli %scan3A_20, %mul3A_114 : i32
      %add3A_116 = arith.constant 3 : i32
      %add3A_117 = arith.addi %mul3A_115, %add3A_116 : i32
      %slice3A_118 = vector.extract_strided_slice %get3A_25 {offsets = [3], sizes = [1], strides = [1]} : vector<16xi32> to vector<1xi32>
      %squeeze3A_119 = vector.extract %slice3A_118[0] : i32 from vector<1xi32>
      %dma_start3A_120 = arith.constant 0 : i32
      %dma_start3A_121 = tpu.memref_slice %arg11[%add3A_117, %dma_start3A_120] : memref<80x91xf32, #tpu.memory_space<vmem>> -> memref<1x91xf32, #tpu.memory_space<vmem>>
      %dma_start3A_122 = tpu.memref_squeeze %dma_start3A_121 : memref<1x91xf32, #tpu.memory_space<vmem>> -> memref<91xf32, #tpu.memory_space<vmem>>
      %dma_start3A_123 = arith.constant 0 : i32
      %dma_start3A_124 = tpu.memref_slice %arg4[%squeeze3A_119, %dma_start3A_123] : memref<160000x91xf32, #tpu.memory_space<hbm>> -> memref<1x91xf32, #tpu.memory_space<hbm>>
      %dma_start3A_125 = tpu.memref_squeeze %dma_start3A_124 : memref<1x91xf32, #tpu.memory_space<hbm>> -> memref<91xf32, #tpu.memory_space<hbm>>
      %dma_start3A_126 = arith.constant 0 : i32
      %dma_start3A_127 = tpu.memref_slice %arg11[%add3A_117, %dma_start3A_126] : memref<80x91xf32, #tpu.memory_space<vmem>> -> memref<1x91xf32, #tpu.memory_space<vmem>>
      %dma_start3A_128 = tpu.memref_squeeze %dma_start3A_127 : memref<1x91xf32, #tpu.memory_space<vmem>> -> memref<91xf32, #tpu.memory_space<vmem>>
      %dma_start3A_129 = arith.constant 0 : i32
      %dma_start3A_130 = tpu.memref_slice %arg4[%squeeze3A_119, %dma_start3A_129] : memref<160000x91xf32, #tpu.memory_space<hbm>> -> memref<1x91xf32, #tpu.memory_space<hbm>>
      %dma_start3A_131 = tpu.memref_squeeze %dma_start3A_130 : memref<1x91xf32, #tpu.memory_space<hbm>> -> memref<91xf32, #tpu.memory_space<hbm>>
      tpu.enqueue_dma source(%dma_start3A_131 : memref<91xf32, #tpu.memory_space<hbm>>) target(%dma_start3A_128 : memref<91xf32, #tpu.memory_space<vmem>>) target_semaphore(%arg14 : memref<!tpu.dma_semaphore, #tpu.memory_space<semaphore_mem>>)
      %dma_start3A_132 = arith.constant 0 : i32
      %dma_start3A_133 = tpu.memref_slice %arg12[%add3A_117, %dma_start3A_132] : memref<80x4xf32, #tpu.memory_space<vmem>> -> memref<1x4xf32, #tpu.memory_space<vmem>>
      %dma_start3A_134 = tpu.memref_squeeze %dma_start3A_133 : memref<1x4xf32, #tpu.memory_space<vmem>> -> memref<4xf32, #tpu.memory_space<vmem>>
      %dma_start3A_135 = arith.constant 0 : i32
      %dma_start3A_136 = tpu.memref_slice %arg5[%squeeze3A_119, %dma_start3A_135] : memref<160000x4xf32, #tpu.memory_space<hbm>> -> memref<1x4xf32, #tpu.memory_space<hbm>>
      %dma_start3A_137 = tpu.memref_squeeze %dma_start3A_136 : memref<1x4xf32, #tpu.memory_space<hbm>> -> memref<4xf32, #tpu.memory_space<hbm>>
      %dma_start3A_138 = arith.constant 0 : i32
      %dma_start3A_139 = tpu.memref_slice %arg12[%add3A_117, %dma_start3A_138] : memref<80x4xf32, #tpu.memory_space<vmem>> -> memref<1x4xf32, #tpu.memory_space<vmem>>
      %dma_start3A_140 = tpu.memref_squeeze %dma_start3A_139 : memref<1x4xf32, #tpu.memory_space<vmem>> -> memref<4xf32, #tpu.memory_space<vmem>>
      %dma_start3A_141 = arith.constant 0 : i32
      %dma_start3A_142 = tpu.memref_slice %arg5[%squeeze3A_119, %dma_start3A_141] : memref<160000x4xf32, #tpu.memory_space<hbm>> -> memref<1x4xf32, #tpu.memory_space<hbm>>
      %dma_start3A_143 = tpu.memref_squeeze %dma_start3A_142 : memref<1x4xf32, #tpu.memory_space<hbm>> -> memref<4xf32, #tpu.memory_space<hbm>>
      tpu.enqueue_dma source(%dma_start3A_143 : memref<4xf32, #tpu.memory_space<hbm>>) target(%dma_start3A_140 : memref<4xf32, #tpu.memory_space<vmem>>) target_semaphore(%arg15 : memref<!tpu.dma_semaphore, #tpu.memory_space<semaphore_mem>>)
      %mul3A_144 = arith.constant 16 : i32
      %mul3A_145 = arith.muli %scan3A_20, %mul3A_144 : i32
      %add3A_146 = arith.constant 4 : i32
      %add3A_147 = arith.addi %mul3A_145, %add3A_146 : i32
      %slice3A_148 = vector.extract_strided_slice %get3A_25 {offsets = [4], sizes = [1], strides = [1]} : vector<16xi32> to vector<1xi32>
      %squeeze3A_149 = vector.extract %slice3A_148[0] : i32 from vector<1xi32>
      %dma_start3A_150 = arith.constant 0 : i32
      %dma_start3A_151 = tpu.memref_slice %arg11[%add3A_147, %dma_start3A_150] : memref<80x91xf32, #tpu.memory_space<vmem>> -> memref<1x91xf32, #tpu.memory_space<vmem>>
      %dma_start3A_152 = tpu.memref_squeeze %dma_start3A_151 : memref<1x91xf32, #tpu.memory_space<vmem>> -> memref<91xf32, #tpu.memory_space<vmem>>
      %dma_start3A_153 = arith.constant 0 : i32
      %dma_start3A_154 = tpu.memref_slice %arg4[%squeeze3A_149, %dma_start3A_153] : memref<160000x91xf32, #tpu.memory_space<hbm>> -> memref<1x91xf32, #tpu.memory_space<hbm>>
      %dma_start3A_155 = tpu.memref_squeeze %dma_start3A_154 : memref<1x91xf32, #tpu.memory_space<hbm>> -> memref<91xf32, #tpu.memory_space<hbm>>
      %dma_start3A_156 = arith.constant 0 : i32
      %dma_start3A_157 = tpu.memref_slice %arg11[%add3A_147, %dma_start3A_156] : memref<80x91xf32, #tpu.memory_space<vmem>> -> memref<1x91xf32, #tpu.memory_space<vmem>>
      %dma_start3A_158 = tpu.memref_squeeze %dma_start3A_157 : memref<1x91xf32, #tpu.memory_space<vmem>> -> memref<91xf32, #tpu.memory_space<vmem>>
      %dma_start3A_159 = arith.constant 0 : i32
      %dma_start3A_160 = tpu.memref_slice %arg4[%squeeze3A_149, %dma_start3A_159] : memref<160000x91xf32, #tpu.memory_space<hbm>> -> memref<1x91xf32, #tpu.memory_space<hbm>>
      %dma_start3A_161 = tpu.memref_squeeze %dma_start3A_160 : memref<1x91xf32, #tpu.memory_space<hbm>> -> memref<91xf32, #tpu.memory_space<hbm>>
      tpu.enqueue_dma source(%dma_start3A_161 : memref<91xf32, #tpu.memory_space<hbm>>) target(%dma_start3A_158 : memref<91xf32, #tpu.memory_space<vmem>>) target_semaphore(%arg14 : memref<!tpu.dma_semaphore, #tpu.memory_space<semaphore_mem>>)
      %dma_start3A_162 = arith.constant 0 : i32
      %dma_start3A_163 = tpu.memref_slice %arg12[%add3A_147, %dma_start3A_162] : memref<80x4xf32, #tpu.memory_space<vmem>> -> memref<1x4xf32, #tpu.memory_space<vmem>>
      %dma_start3A_164 = tpu.memref_squeeze %dma_start3A_163 : memref<1x4xf32, #tpu.memory_space<vmem>> -> memref<4xf32, #tpu.memory_space<vmem>>
      %dma_start3A_165 = arith.constant 0 : i32
      %dma_start3A_166 = tpu.memref_slice %arg5[%squeeze3A_149, %dma_start3A_165] : memref<160000x4xf32, #tpu.memory_space<hbm>> -> memref<1x4xf32, #tpu.memory_space<hbm>>
      %dma_start3A_167 = tpu.memref_squeeze %dma_start3A_166 : memref<1x4xf32, #tpu.memory_space<hbm>> -> memref<4xf32, #tpu.memory_space<hbm>>
      %dma_start3A_168 = arith.constant 0 : i32
      %dma_start3A_169 = tpu.memref_slice %arg12[%add3A_147, %dma_start3A_168] : memref<80x4xf32, #tpu.memory_space<vmem>> -> memref<1x4xf32, #tpu.memory_space<vmem>>
      %dma_start3A_170 = tpu.memref_squeeze %dma_start3A_169 : memref<1x4xf32, #tpu.memory_space<vmem>> -> memref<4xf32, #tpu.memory_space<vmem>>
      %dma_start3A_171 = arith.constant 0 : i32
      %dma_start3A_172 = tpu.memref_slice %arg5[%squeeze3A_149, %dma_start3A_171] : memref<160000x4xf32, #tpu.memory_space<hbm>> -> memref<1x4xf32, #tpu.memory_space<hbm>>
      %dma_start3A_173 = tpu.memref_squeeze %dma_start3A_172 : memref<1x4xf32, #tpu.memory_space<hbm>> -> memref<4xf32, #tpu.memory_space<hbm>>
      tpu.enqueue_dma source(%dma_start3A_173 : memref<4xf32, #tpu.memory_space<hbm>>) target(%dma_start3A_170 : memref<4xf32, #tpu.memory_space<vmem>>) target_semaphore(%arg15 : memref<!tpu.dma_semaphore, #tpu.memory_space<semaphore_mem>>)
      %mul3A_174 = arith.constant 16 : i32
      %mul3A_175 = arith.muli %scan3A_20, %mul3A_174 : i32
      %add3A_176 = arith.constant 5 : i32
      %add3A_177 = arith.addi %mul3A_175, %add3A_176 : i32
      %slice3A_178 = vector.extract_strided_slice %get3A_25 {offsets = [5], sizes = [1], strides = [1]} : vector<16xi32> to vector<1xi32>
      %squeeze3A_179 = vector.extract %slice3A_178[0] : i32 from vector<1xi32>
      %dma_start3A_180 = arith.constant 0 : i32
      %dma_start3A_181 = tpu.memref_slice %arg11[%add3A_177, %dma_start3A_180] : memref<80x91xf32, #tpu.memory_space<vmem>> -> memref<1x91xf32, #tpu.memory_space<vmem>>
      %dma_start3A_182 = tpu.memref_squeeze %dma_start3A_181 : memref<1x91xf32, #tpu.memory_space<vmem>> -> memref<91xf32, #tpu.memory_space<vmem>>
      %dma_start3A_183 = arith.constant 0 : i32
      %dma_start3A_184 = tpu.memref_slice %arg4[%squeeze3A_179, %dma_start3A_183] : memref<160000x91xf32, #tpu.memory_space<hbm>> -> memref<1x91xf32, #tpu.memory_space<hbm>>
      %dma_start3A_185 = tpu.memref_squeeze %dma_start3A_184 : memref<1x91xf32, #tpu.memory_space<hbm>> -> memref<91xf32, #tpu.memory_space<hbm>>
      %dma_start3A_186 = arith.constant 0 : i32
      %dma_start3A_187 = tpu.memref_slice %arg11[%add3A_177, %dma_start3A_186] : memref<80x91xf32, #tpu.memory_space<vmem>> -> memref<1x91xf32, #tpu.memory_space<vmem>>
      %dma_start3A_188 = tpu.memref_squeeze %dma_start3A_187 : memref<1x91xf32, #tpu.memory_space<vmem>> -> memref<91xf32, #tpu.memory_space<vmem>>
      %dma_start3A_189 = arith.constant 0 : i32
      %dma_start3A_190 = tpu.memref_slice %arg4[%squeeze3A_179, %dma_start3A_189] : memref<160000x91xf32, #tpu.memory_space<hbm>> -> memref<1x91xf32, #tpu.memory_space<hbm>>
      %dma_start3A_191 = tpu.memref_squeeze %dma_start3A_190 : memref<1x91xf32, #tpu.memory_space<hbm>> -> memref<91xf32, #tpu.memory_space<hbm>>
      tpu.enqueue_dma source(%dma_start3A_191 : memref<91xf32, #tpu.memory_space<hbm>>) target(%dma_start3A_188 : memref<91xf32, #tpu.memory_space<vmem>>) target_semaphore(%arg14 : memref<!tpu.dma_semaphore, #tpu.memory_space<semaphore_mem>>)
      %dma_start3A_192 = arith.constant 0 : i32
      %dma_start3A_193 = tpu.memref_slice %arg12[%add3A_177, %dma_start3A_192] : memref<80x4xf32, #tpu.memory_space<vmem>> -> memref<1x4xf32, #tpu.memory_space<vmem>>
      %dma_start3A_194 = tpu.memref_squeeze %dma_start3A_193 : memref<1x4xf32, #tpu.memory_space<vmem>> -> memref<4xf32, #tpu.memory_space<vmem>>
      %dma_start3A_195 = arith.constant 0 : i32
      %dma_start3A_196 = tpu.memref_slice %arg5[%squeeze3A_179, %dma_start3A_195] : memref<160000x4xf32, #tpu.memory_space<hbm>> -> memref<1x4xf32, #tpu.memory_space<hbm>>
      %dma_start3A_197 = tpu.memref_squeeze %dma_start3A_196 : memref<1x4xf32, #tpu.memory_space<hbm>> -> memref<4xf32, #tpu.memory_space<hbm>>
      %dma_start3A_198 = arith.constant 0 : i32
      %dma_start3A_199 = tpu.memref_slice %arg12[%add3A_177, %dma_start3A_198] : memref<80x4xf32, #tpu.memory_space<vmem>> -> memref<1x4xf32, #tpu.memory_space<vmem>>
      %dma_start3A_200 = tpu.memref_squeeze %dma_start3A_199 : memref<1x4xf32, #tpu.memory_space<vmem>> -> memref<4xf32, #tpu.memory_space<vmem>>
      %dma_start3A_201 = arith.constant 0 : i32
      %dma_start3A_202 = tpu.memref_slice %arg5[%squeeze3A_179, %dma_start3A_201] : memref<160000x4xf32, #tpu.memory_space<hbm>> -> memref<1x4xf32, #tpu.memory_space<hbm>>
      %dma_start3A_203 = tpu.memref_squeeze %dma_start3A_202 : memref<1x4xf32, #tpu.memory_space<hbm>> -> memref<4xf32, #tpu.memory_space<hbm>>
      tpu.enqueue_dma source(%dma_start3A_203 : memref<4xf32, #tpu.memory_space<hbm>>) target(%dma_start3A_200 : memref<4xf32, #tpu.memory_space<vmem>>) target_semaphore(%arg15 : memref<!tpu.dma_semaphore, #tpu.memory_space<semaphore_mem>>)
      %mul3A_204 = arith.constant 16 : i32
      %mul3A_205 = arith.muli %scan3A_20, %mul3A_204 : i32
      %add3A_206 = arith.constant 6 : i32
      %add3A_207 = arith.addi %mul3A_205, %add3A_206 : i32
      %slice3A_208 = vector.extract_strided_slice %get3A_25 {offsets = [6], sizes = [1], strides = [1]} : vector<16xi32> to vector<1xi32>
      %squeeze3A_209 = vector.extract %slice3A_208[0] : i32 from vector<1xi32>
      %dma_start3A_210 = arith.constant 0 : i32
      %dma_start3A_211 = tpu.memref_slice %arg11[%add3A_207, %dma_start3A_210] : memref<80x91xf32, #tpu.memory_space<vmem>> -> memref<1x91xf32, #tpu.memory_space<vmem>>
      %dma_start3A_212 = tpu.memref_squeeze %dma_start3A_211 : memref<1x91xf32, #tpu.memory_space<vmem>> -> memref<91xf32, #tpu.memory_space<vmem>>
      %dma_start3A_213 = arith.constant 0 : i32
      %dma_start3A_214 = tpu.memref_slice %arg4[%squeeze3A_209, %dma_start3A_213] : memref<160000x91xf32, #tpu.memory_space<hbm>> -> memref<1x91xf32, #tpu.memory_space<hbm>>
      %dma_start3A_215 = tpu.memref_squeeze %dma_start3A_214 : memref<1x91xf32, #tpu.memory_space<hbm>> -> memref<91xf32, #tpu.memory_space<hbm>>
      %dma_start3A_216 = arith.constant 0 : i32
      %dma_start3A_217 = tpu.memref_slice %arg11[%add3A_207, %dma_start3A_216] : memref<80x91xf32, #tpu.memory_space<vmem>> -> memref<1x91xf32, #tpu.memory_space<vmem>>
      %dma_start3A_218 = tpu.memref_squeeze %dma_start3A_217 : memref<1x91xf32, #tpu.memory_space<vmem>> -> memref<91xf32, #tpu.memory_space<vmem>>
      %dma_start3A_219 = arith.constant 0 : i32
      %dma_start3A_220 = tpu.memref_slice %arg4[%squeeze3A_209, %dma_start3A_219] : memref<160000x91xf32, #tpu.memory_space<hbm>> -> memref<1x91xf32, #tpu.memory_space<hbm>>
      %dma_start3A_221 = tpu.memref_squeeze %dma_start3A_220 : memref<1x91xf32, #tpu.memory_space<hbm>> -> memref<91xf32, #tpu.memory_space<hbm>>
      tpu.enqueue_dma source(%dma_start3A_221 : memref<91xf32, #tpu.memory_space<hbm>>) target(%dma_start3A_218 : memref<91xf32, #tpu.memory_space<vmem>>) target_semaphore(%arg14 : memref<!tpu.dma_semaphore, #tpu.memory_space<semaphore_mem>>)
      %dma_start3A_222 = arith.constant 0 : i32
      %dma_start3A_223 = tpu.memref_slice %arg12[%add3A_207, %dma_start3A_222] : memref<80x4xf32, #tpu.memory_space<vmem>> -> memref<1x4xf32, #tpu.memory_space<vmem>>
      %dma_start3A_224 = tpu.memref_squeeze %dma_start3A_223 : memref<1x4xf32, #tpu.memory_space<vmem>> -> memref<4xf32, #tpu.memory_space<vmem>>
      %dma_start3A_225 = arith.constant 0 : i32
      %dma_start3A_226 = tpu.memref_slice %arg5[%squeeze3A_209, %dma_start3A_225] : memref<160000x4xf32, #tpu.memory_space<hbm>> -> memref<1x4xf32, #tpu.memory_space<hbm>>
      %dma_start3A_227 = tpu.memref_squeeze %dma_start3A_226 : memref<1x4xf32, #tpu.memory_space<hbm>> -> memref<4xf32, #tpu.memory_space<hbm>>
      %dma_start3A_228 = arith.constant 0 : i32
      %dma_start3A_229 = tpu.memref_slice %arg12[%add3A_207, %dma_start3A_228] : memref<80x4xf32, #tpu.memory_space<vmem>> -> memref<1x4xf32, #tpu.memory_space<vmem>>
      %dma_start3A_230 = tpu.memref_squeeze %dma_start3A_229 : memref<1x4xf32, #tpu.memory_space<vmem>> -> memref<4xf32, #tpu.memory_space<vmem>>
      %dma_start3A_231 = arith.constant 0 : i32
      %dma_start3A_232 = tpu.memref_slice %arg5[%squeeze3A_209, %dma_start3A_231] : memref<160000x4xf32, #tpu.memory_space<hbm>> -> memref<1x4xf32, #tpu.memory_space<hbm>>
      %dma_start3A_233 = tpu.memref_squeeze %dma_start3A_232 : memref<1x4xf32, #tpu.memory_space<hbm>> -> memref<4xf32, #tpu.memory_space<hbm>>
      tpu.enqueue_dma source(%dma_start3A_233 : memref<4xf32, #tpu.memory_space<hbm>>) target(%dma_start3A_230 : memref<4xf32, #tpu.memory_space<vmem>>) target_semaphore(%arg15 : memref<!tpu.dma_semaphore, #tpu.memory_space<semaphore_mem>>)
      %mul3A_234 = arith.constant 16 : i32
      %mul3A_235 = arith.muli %scan3A_20, %mul3A_234 : i32
      %add3A_236 = arith.constant 7 : i32
      %add3A_237 = arith.addi %mul3A_235, %add3A_236 : i32
      %slice3A_238 = vector.extract_strided_slice %get3A_25 {offsets = [7], sizes = [1], strides = [1]} : vector<16xi32> to vector<1xi32>
      %squeeze3A_239 = vector.extract %slice3A_238[0] : i32 from vector<1xi32>
      %dma_start3A_240 = arith.constant 0 : i32
      %dma_start3A_241 = tpu.memref_slice %arg11[%add3A_237, %dma_start3A_240] : memref<80x91xf32, #tpu.memory_space<vmem>> -> memref<1x91xf32, #tpu.memory_space<vmem>>
      %dma_start3A_242 = tpu.memref_squeeze %dma_start3A_241 : memref<1x91xf32, #tpu.memory_space<vmem>> -> memref<91xf32, #tpu.memory_space<vmem>>
      %dma_start3A_243 = arith.constant 0 : i32
      %dma_start3A_244 = tpu.memref_slice %arg4[%squeeze3A_239, %dma_start3A_243] : memref<160000x91xf32, #tpu.memory_space<hbm>> -> memref<1x91xf32, #tpu.memory_space<hbm>>
      %dma_start3A_245 = tpu.memref_squeeze %dma_start3A_244 : memref<1x91xf32, #tpu.memory_space<hbm>> -> memref<91xf32, #tpu.memory_space<hbm>>
      %dma_start3A_246 = arith.constant 0 : i32
      %dma_start3A_247 = tpu.memref_slice %arg11[%add3A_237, %dma_start3A_246] : memref<80x91xf32, #tpu.memory_space<vmem>> -> memref<1x91xf32, #tpu.memory_space<vmem>>
      %dma_start3A_248 = tpu.memref_squeeze %dma_start3A_247 : memref<1x91xf32, #tpu.memory_space<vmem>> -> memref<91xf32, #tpu.memory_space<vmem>>
      %dma_start3A_249 = arith.constant 0 : i32
      %dma_start3A_250 = tpu.memref_slice %arg4[%squeeze3A_239, %dma_start3A_249] : memref<160000x91xf32, #tpu.memory_space<hbm>> -> memref<1x91xf32, #tpu.memory_space<hbm>>
      %dma_start3A_251 = tpu.memref_squeeze %dma_start3A_250 : memref<1x91xf32, #tpu.memory_space<hbm>> -> memref<91xf32, #tpu.memory_space<hbm>>
      tpu.enqueue_dma source(%dma_start3A_251 : memref<91xf32, #tpu.memory_space<hbm>>) target(%dma_start3A_248 : memref<91xf32, #tpu.memory_space<vmem>>) target_semaphore(%arg14 : memref<!tpu.dma_semaphore, #tpu.memory_space<semaphore_mem>>)
      %dma_start3A_252 = arith.constant 0 : i32
      %dma_start3A_253 = tpu.memref_slice %arg12[%add3A_237, %dma_start3A_252] : memref<80x4xf32, #tpu.memory_space<vmem>> -> memref<1x4xf32, #tpu.memory_space<vmem>>
      %dma_start3A_254 = tpu.memref_squeeze %dma_start3A_253 : memref<1x4xf32, #tpu.memory_space<vmem>> -> memref<4xf32, #tpu.memory_space<vmem>>
      %dma_start3A_255 = arith.constant 0 : i32
      %dma_start3A_256 = tpu.memref_slice %arg5[%squeeze3A_239, %dma_start3A_255] : memref<160000x4xf32, #tpu.memory_space<hbm>> -> memref<1x4xf32, #tpu.memory_space<hbm>>
      %dma_start3A_257 = tpu.memref_squeeze %dma_start3A_256 : memref<1x4xf32, #tpu.memory_space<hbm>> -> memref<4xf32, #tpu.memory_space<hbm>>
      %dma_start3A_258 = arith.constant 0 : i32
      %dma_start3A_259 = tpu.memref_slice %arg12[%add3A_237, %dma_start3A_258] : memref<80x4xf32, #tpu.memory_space<vmem>> -> memref<1x4xf32, #tpu.memory_space<vmem>>
      %dma_start3A_260 = tpu.memref_squeeze %dma_start3A_259 : memref<1x4xf32, #tpu.memory_space<vmem>> -> memref<4xf32, #tpu.memory_space<vmem>>
      %dma_start3A_261 = arith.constant 0 : i32
      %dma_start3A_262 = tpu.memref_slice %arg5[%squeeze3A_239, %dma_start3A_261] : memref<160000x4xf32, #tpu.memory_space<hbm>> -> memref<1x4xf32, #tpu.memory_space<hbm>>
      %dma_start3A_263 = tpu.memref_squeeze %dma_start3A_262 : memref<1x4xf32, #tpu.memory_space<hbm>> -> memref<4xf32, #tpu.memory_space<hbm>>
      tpu.enqueue_dma source(%dma_start3A_263 : memref<4xf32, #tpu.memory_space<hbm>>) target(%dma_start3A_260 : memref<4xf32, #tpu.memory_space<vmem>>) target_semaphore(%arg15 : memref<!tpu.dma_semaphore, #tpu.memory_space<semaphore_mem>>)
      %mul3A_264 = arith.constant 16 : i32
      %mul3A_265 = arith.muli %scan3A_20, %mul3A_264 : i32
      %add3A_266 = arith.constant 8 : i32
      %add3A_267 = arith.addi %mul3A_265, %add3A_266 : i32
      %slice3A_268 = vector.extract_strided_slice %get3A_25 {offsets = [8], sizes = [1], strides = [1]} : vector<16xi32> to vector<1xi32>
      %squeeze3A_269 = vector.extract %slice3A_268[0] : i32 from vector<1xi32>
      %dma_start3A_270 = arith.constant 0 : i32
      %dma_start3A_271 = tpu.memref_slice %arg11[%add3A_267, %dma_start3A_270] : memref<80x91xf32, #tpu.memory_space<vmem>> -> memref<1x91xf32, #tpu.memory_space<vmem>>
      %dma_start3A_272 = tpu.memref_squeeze %dma_start3A_271 : memref<1x91xf32, #tpu.memory_space<vmem>> -> memref<91xf32, #tpu.memory_space<vmem>>
      %dma_start3A_273 = arith.constant 0 : i32
      %dma_start3A_274 = tpu.memref_slice %arg4[%squeeze3A_269, %dma_start3A_273] : memref<160000x91xf32, #tpu.memory_space<hbm>> -> memref<1x91xf32, #tpu.memory_space<hbm>>
      %dma_start3A_275 = tpu.memref_squeeze %dma_start3A_274 : memref<1x91xf32, #tpu.memory_space<hbm>> -> memref<91xf32, #tpu.memory_space<hbm>>
      %dma_start3A_276 = arith.constant 0 : i32
      %dma_start3A_277 = tpu.memref_slice %arg11[%add3A_267, %dma_start3A_276] : memref<80x91xf32, #tpu.memory_space<vmem>> -> memref<1x91xf32, #tpu.memory_space<vmem>>
      %dma_start3A_278 = tpu.memref_squeeze %dma_start3A_277 : memref<1x91xf32, #tpu.memory_space<vmem>> -> memref<91xf32, #tpu.memory_space<vmem>>
      %dma_start3A_279 = arith.constant 0 : i32
      %dma_start3A_280 = tpu.memref_slice %arg4[%squeeze3A_269, %dma_start3A_279] : memref<160000x91xf32, #tpu.memory_space<hbm>> -> memref<1x91xf32, #tpu.memory_space<hbm>>
      %dma_start3A_281 = tpu.memref_squeeze %dma_start3A_280 : memref<1x91xf32, #tpu.memory_space<hbm>> -> memref<91xf32, #tpu.memory_space<hbm>>
      tpu.enqueue_dma source(%dma_start3A_281 : memref<91xf32, #tpu.memory_space<hbm>>) target(%dma_start3A_278 : memref<91xf32, #tpu.memory_space<vmem>>) target_semaphore(%arg14 : memref<!tpu.dma_semaphore, #tpu.memory_space<semaphore_mem>>)
      %dma_start3A_282 = arith.constant 0 : i32
      %dma_start3A_283 = tpu.memref_slice %arg12[%add3A_267, %dma_start3A_282] : memref<80x4xf32, #tpu.memory_space<vmem>> -> memref<1x4xf32, #tpu.memory_space<vmem>>
      %dma_start3A_284 = tpu.memref_squeeze %dma_start3A_283 : memref<1x4xf32, #tpu.memory_space<vmem>> -> memref<4xf32, #tpu.memory_space<vmem>>
      %dma_start3A_285 = arith.constant 0 : i32
      %dma_start3A_286 = tpu.memref_slice %arg5[%squeeze3A_269, %dma_start3A_285] : memref<160000x4xf32, #tpu.memory_space<hbm>> -> memref<1x4xf32, #tpu.memory_space<hbm>>
      %dma_start3A_287 = tpu.memref_squeeze %dma_start3A_286 : memref<1x4xf32, #tpu.memory_space<hbm>> -> memref<4xf32, #tpu.memory_space<hbm>>
      %dma_start3A_288 = arith.constant 0 : i32
      %dma_start3A_289 = tpu.memref_slice %arg12[%add3A_267, %dma_start3A_288] : memref<80x4xf32, #tpu.memory_space<vmem>> -> memref<1x4xf32, #tpu.memory_space<vmem>>
      %dma_start3A_290 = tpu.memref_squeeze %dma_start3A_289 : memref<1x4xf32, #tpu.memory_space<vmem>> -> memref<4xf32, #tpu.memory_space<vmem>>
      %dma_start3A_291 = arith.constant 0 : i32
      %dma_start3A_292 = tpu.memref_slice %arg5[%squeeze3A_269, %dma_start3A_291] : memref<160000x4xf32, #tpu.memory_space<hbm>> -> memref<1x4xf32, #tpu.memory_space<hbm>>
      %dma_start3A_293 = tpu.memref_squeeze %dma_start3A_292 : memref<1x4xf32, #tpu.memory_space<hbm>> -> memref<4xf32, #tpu.memory_space<hbm>>
      tpu.enqueue_dma source(%dma_start3A_293 : memref<4xf32, #tpu.memory_space<hbm>>) target(%dma_start3A_290 : memref<4xf32, #tpu.memory_space<vmem>>) target_semaphore(%arg15 : memref<!tpu.dma_semaphore, #tpu.memory_space<semaphore_mem>>)
      %mul3A_294 = arith.constant 16 : i32
      %mul3A_295 = arith.muli %scan3A_20, %mul3A_294 : i32
      %add3A_296 = arith.constant 9 : i32
      %add3A_297 = arith.addi %mul3A_295, %add3A_296 : i32
      %slice3A_298 = vector.extract_strided_slice %get3A_25 {offsets = [9], sizes = [1], strides = [1]} : vector<16xi32> to vector<1xi32>
      %squeeze3A_299 = vector.extract %slice3A_298[0] : i32 from vector<1xi32>
      %dma_start3A_300 = arith.constant 0 : i32
      %dma_start3A_301 = tpu.memref_slice %arg11[%add3A_297, %dma_start3A_300] : memref<80x91xf32, #tpu.memory_space<vmem>> -> memref<1x91xf32, #tpu.memory_space<vmem>>
      %dma_start3A_302 = tpu.memref_squeeze %dma_start3A_301 : memref<1x91xf32, #tpu.memory_space<vmem>> -> memref<91xf32, #tpu.memory_space<vmem>>
      %dma_start3A_303 = arith.constant 0 : i32
      %dma_start3A_304 = tpu.memref_slice %arg4[%squeeze3A_299, %dma_start3A_303] : memref<160000x91xf32, #tpu.memory_space<hbm>> -> memref<1x91xf32, #tpu.memory_space<hbm>>
      %dma_start3A_305 = tpu.memref_squeeze %dma_start3A_304 : memref<1x91xf32, #tpu.memory_space<hbm>> -> memref<91xf32, #tpu.memory_space<hbm>>
      %dma_start3A_306 = arith.constant 0 : i32
      %dma_start3A_307 = tpu.memref_slice %arg11[%add3A_297, %dma_start3A_306] : memref<80x91xf32, #tpu.memory_space<vmem>> -> memref<1x91xf32, #tpu.memory_space<vmem>>
      %dma_start3A_308 = tpu.memref_squeeze %dma_start3A_307 : memref<1x91xf32, #tpu.memory_space<vmem>> -> memref<91xf32, #tpu.memory_space<vmem>>
      %dma_start3A_309 = arith.constant 0 : i32
      %dma_start3A_310 = tpu.memref_slice %arg4[%squeeze3A_299, %dma_start3A_309] : memref<160000x91xf32, #tpu.memory_space<hbm>> -> memref<1x91xf32, #tpu.memory_space<hbm>>
      %dma_start3A_311 = tpu.memref_squeeze %dma_start3A_310 : memref<1x91xf32, #tpu.memory_space<hbm>> -> memref<91xf32, #tpu.memory_space<hbm>>
      tpu.enqueue_dma source(%dma_start3A_311 : memref<91xf32, #tpu.memory_space<hbm>>) target(%dma_start3A_308 : memref<91xf32, #tpu.memory_space<vmem>>) target_semaphore(%arg14 : memref<!tpu.dma_semaphore, #tpu.memory_space<semaphore_mem>>)
      %dma_start3A_312 = arith.constant 0 : i32
      %dma_start3A_313 = tpu.memref_slice %arg12[%add3A_297, %dma_start3A_312] : memref<80x4xf32, #tpu.memory_space<vmem>> -> memref<1x4xf32, #tpu.memory_space<vmem>>
      %dma_start3A_314 = tpu.memref_squeeze %dma_start3A_313 : memref<1x4xf32, #tpu.memory_space<vmem>> -> memref<4xf32, #tpu.memory_space<vmem>>
      %dma_start3A_315 = arith.constant 0 : i32
      %dma_start3A_316 = tpu.memref_slice %arg5[%squeeze3A_299, %dma_start3A_315] : memref<160000x4xf32, #tpu.memory_space<hbm>> -> memref<1x4xf32, #tpu.memory_space<hbm>>
      %dma_start3A_317 = tpu.memref_squeeze %dma_start3A_316 : memref<1x4xf32, #tpu.memory_space<hbm>> -> memref<4xf32, #tpu.memory_space<hbm>>
      %dma_start3A_318 = arith.constant 0 : i32
      %dma_start3A_319 = tpu.memref_slice %arg12[%add3A_297, %dma_start3A_318] : memref<80x4xf32, #tpu.memory_space<vmem>> -> memref<1x4xf32, #tpu.memory_space<vmem>>
      %dma_start3A_320 = tpu.memref_squeeze %dma_start3A_319 : memref<1x4xf32, #tpu.memory_space<vmem>> -> memref<4xf32, #tpu.memory_space<vmem>>
      %dma_start3A_321 = arith.constant 0 : i32
      %dma_start3A_322 = tpu.memref_slice %arg5[%squeeze3A_299, %dma_start3A_321] : memref<160000x4xf32, #tpu.memory_space<hbm>> -> memref<1x4xf32, #tpu.memory_space<hbm>>
      %dma_start3A_323 = tpu.memref_squeeze %dma_start3A_322 : memref<1x4xf32, #tpu.memory_space<hbm>> -> memref<4xf32, #tpu.memory_space<hbm>>
      tpu.enqueue_dma source(%dma_start3A_323 : memref<4xf32, #tpu.memory_space<hbm>>) target(%dma_start3A_320 : memref<4xf32, #tpu.memory_space<vmem>>) target_semaphore(%arg15 : memref<!tpu.dma_semaphore, #tpu.memory_space<semaphore_mem>>)
      %mul3A_324 = arith.constant 16 : i32
      %mul3A_325 = arith.muli %scan3A_20, %mul3A_324 : i32
      %add3A_326 = arith.constant 10 : i32
      %add3A_327 = arith.addi %mul3A_325, %add3A_326 : i32
      %slice3A_328 = vector.extract_strided_slice %get3A_25 {offsets = [10], sizes = [1], strides = [1]} : vector<16xi32> to vector<1xi32>
      %squeeze3A_329 = vector.extract %slice3A_328[0] : i32 from vector<1xi32>
      %dma_start3A_330 = arith.constant 0 : i32
      %dma_start3A_331 = tpu.memref_slice %arg11[%add3A_327, %dma_start3A_330] : memref<80x91xf32, #tpu.memory_space<vmem>> -> memref<1x91xf32, #tpu.memory_space<vmem>>
      %dma_start3A_332 = tpu.memref_squeeze %dma_start3A_331 : memref<1x91xf32, #tpu.memory_space<vmem>> -> memref<91xf32, #tpu.memory_space<vmem>>
      %dma_start3A_333 = arith.constant 0 : i32
      %dma_start3A_334 = tpu.memref_slice %arg4[%squeeze3A_329, %dma_start3A_333] : memref<160000x91xf32, #tpu.memory_space<hbm>> -> memref<1x91xf32, #tpu.memory_space<hbm>>
      %dma_start3A_335 = tpu.memref_squeeze %dma_start3A_334 : memref<1x91xf32, #tpu.memory_space<hbm>> -> memref<91xf32, #tpu.memory_space<hbm>>
      %dma_start3A_336 = arith.constant 0 : i32
      %dma_start3A_337 = tpu.memref_slice %arg11[%add3A_327, %dma_start3A_336] : memref<80x91xf32, #tpu.memory_space<vmem>> -> memref<1x91xf32, #tpu.memory_space<vmem>>
      %dma_start3A_338 = tpu.memref_squeeze %dma_start3A_337 : memref<1x91xf32, #tpu.memory_space<vmem>> -> memref<91xf32, #tpu.memory_space<vmem>>
      %dma_start3A_339 = arith.constant 0 : i32
      %dma_start3A_340 = tpu.memref_slice %arg4[%squeeze3A_329, %dma_start3A_339] : memref<160000x91xf32, #tpu.memory_space<hbm>> -> memref<1x91xf32, #tpu.memory_space<hbm>>
      %dma_start3A_341 = tpu.memref_squeeze %dma_start3A_340 : memref<1x91xf32, #tpu.memory_space<hbm>> -> memref<91xf32, #tpu.memory_space<hbm>>
      tpu.enqueue_dma source(%dma_start3A_341 : memref<91xf32, #tpu.memory_space<hbm>>) target(%dma_start3A_338 : memref<91xf32, #tpu.memory_space<vmem>>) target_semaphore(%arg14 : memref<!tpu.dma_semaphore, #tpu.memory_space<semaphore_mem>>)
      %dma_start3A_342 = arith.constant 0 : i32
      %dma_start3A_343 = tpu.memref_slice %arg12[%add3A_327, %dma_start3A_342] : memref<80x4xf32, #tpu.memory_space<vmem>> -> memref<1x4xf32, #tpu.memory_space<vmem>>
      %dma_start3A_344 = tpu.memref_squeeze %dma_start3A_343 : memref<1x4xf32, #tpu.memory_space<vmem>> -> memref<4xf32, #tpu.memory_space<vmem>>
      %dma_start3A_345 = arith.constant 0 : i32
      %dma_start3A_346 = tpu.memref_slice %arg5[%squeeze3A_329, %dma_start3A_345] : memref<160000x4xf32, #tpu.memory_space<hbm>> -> memref<1x4xf32, #tpu.memory_space<hbm>>
      %dma_start3A_347 = tpu.memref_squeeze %dma_start3A_346 : memref<1x4xf32, #tpu.memory_space<hbm>> -> memref<4xf32, #tpu.memory_space<hbm>>
      %dma_start3A_348 = arith.constant 0 : i32
      %dma_start3A_349 = tpu.memref_slice %arg12[%add3A_327, %dma_start3A_348] : memref<80x4xf32, #tpu.memory_space<vmem>> -> memref<1x4xf32, #tpu.memory_space<vmem>>
      %dma_start3A_350 = tpu.memref_squeeze %dma_start3A_349 : memref<1x4xf32, #tpu.memory_space<vmem>> -> memref<4xf32, #tpu.memory_space<vmem>>
      %dma_start3A_351 = arith.constant 0 : i32
      %dma_start3A_352 = tpu.memref_slice %arg5[%squeeze3A_329, %dma_start3A_351] : memref<160000x4xf32, #tpu.memory_space<hbm>> -> memref<1x4xf32, #tpu.memory_space<hbm>>
      %dma_start3A_353 = tpu.memref_squeeze %dma_start3A_352 : memref<1x4xf32, #tpu.memory_space<hbm>> -> memref<4xf32, #tpu.memory_space<hbm>>
      tpu.enqueue_dma source(%dma_start3A_353 : memref<4xf32, #tpu.memory_space<hbm>>) target(%dma_start3A_350 : memref<4xf32, #tpu.memory_space<vmem>>) target_semaphore(%arg15 : memref<!tpu.dma_semaphore, #tpu.memory_space<semaphore_mem>>)
      %mul3A_354 = arith.constant 16 : i32
      %mul3A_355 = arith.muli %scan3A_20, %mul3A_354 : i32
      %add3A_356 = arith.constant 11 : i32
      %add3A_357 = arith.addi %mul3A_355, %add3A_356 : i32
      %slice3A_358 = vector.extract_strided_slice %get3A_25 {offsets = [11], sizes = [1], strides = [1]} : vector<16xi32> to vector<1xi32>
      %squeeze3A_359 = vector.extract %slice3A_358[0] : i32 from vector<1xi32>
      %dma_start3A_360 = arith.constant 0 : i32
      %dma_start3A_361 = tpu.memref_slice %arg11[%add3A_357, %dma_start3A_360] : memref<80x91xf32, #tpu.memory_space<vmem>> -> memref<1x91xf32, #tpu.memory_space<vmem>>
      %dma_start3A_362 = tpu.memref_squeeze %dma_start3A_361 : memref<1x91xf32, #tpu.memory_space<vmem>> -> memref<91xf32, #tpu.memory_space<vmem>>
      %dma_start3A_363 = arith.constant 0 : i32
      %dma_start3A_364 = tpu.memref_slice %arg4[%squeeze3A_359, %dma_start3A_363] : memref<160000x91xf32, #tpu.memory_space<hbm>> -> memref<1x91xf32, #tpu.memory_space<hbm>>
      %dma_start3A_365 = tpu.memref_squeeze %dma_start3A_364 : memref<1x91xf32, #tpu.memory_space<hbm>> -> memref<91xf32, #tpu.memory_space<hbm>>
      %dma_start3A_366 = arith.constant 0 : i32
      %dma_start3A_367 = tpu.memref_slice %arg11[%add3A_357, %dma_start3A_366] : memref<80x91xf32, #tpu.memory_space<vmem>> -> memref<1x91xf32, #tpu.memory_space<vmem>>
      %dma_start3A_368 = tpu.memref_squeeze %dma_start3A_367 : memref<1x91xf32, #tpu.memory_space<vmem>> -> memref<91xf32, #tpu.memory_space<vmem>>
      %dma_start3A_369 = arith.constant 0 : i32
      %dma_start3A_370 = tpu.memref_slice %arg4[%squeeze3A_359, %dma_start3A_369] : memref<160000x91xf32, #tpu.memory_space<hbm>> -> memref<1x91xf32, #tpu.memory_space<hbm>>
      %dma_start3A_371 = tpu.memref_squeeze %dma_start3A_370 : memref<1x91xf32, #tpu.memory_space<hbm>> -> memref<91xf32, #tpu.memory_space<hbm>>
      tpu.enqueue_dma source(%dma_start3A_371 : memref<91xf32, #tpu.memory_space<hbm>>) target(%dma_start3A_368 : memref<91xf32, #tpu.memory_space<vmem>>) target_semaphore(%arg14 : memref<!tpu.dma_semaphore, #tpu.memory_space<semaphore_mem>>)
      %dma_start3A_372 = arith.constant 0 : i32
      %dma_start3A_373 = tpu.memref_slice %arg12[%add3A_357, %dma_start3A_372] : memref<80x4xf32, #tpu.memory_space<vmem>> -> memref<1x4xf32, #tpu.memory_space<vmem>>
      %dma_start3A_374 = tpu.memref_squeeze %dma_start3A_373 : memref<1x4xf32, #tpu.memory_space<vmem>> -> memref<4xf32, #tpu.memory_space<vmem>>
      %dma_start3A_375 = arith.constant 0 : i32
      %dma_start3A_376 = tpu.memref_slice %arg5[%squeeze3A_359, %dma_start3A_375] : memref<160000x4xf32, #tpu.memory_space<hbm>> -> memref<1x4xf32, #tpu.memory_space<hbm>>
      %dma_start3A_377 = tpu.memref_squeeze %dma_start3A_376 : memref<1x4xf32, #tpu.memory_space<hbm>> -> memref<4xf32, #tpu.memory_space<hbm>>
      %dma_start3A_378 = arith.constant 0 : i32
      %dma_start3A_379 = tpu.memref_slice %arg12[%add3A_357, %dma_start3A_378] : memref<80x4xf32, #tpu.memory_space<vmem>> -> memref<1x4xf32, #tpu.memory_space<vmem>>
      %dma_start3A_380 = tpu.memref_squeeze %dma_start3A_379 : memref<1x4xf32, #tpu.memory_space<vmem>> -> memref<4xf32, #tpu.memory_space<vmem>>
      %dma_start3A_381 = arith.constant 0 : i32
      %dma_start3A_382 = tpu.memref_slice %arg5[%squeeze3A_359, %dma_start3A_381] : memref<160000x4xf32, #tpu.memory_space<hbm>> -> memref<1x4xf32, #tpu.memory_space<hbm>>
      %dma_start3A_383 = tpu.memref_squeeze %dma_start3A_382 : memref<1x4xf32, #tpu.memory_space<hbm>> -> memref<4xf32, #tpu.memory_space<hbm>>
      tpu.enqueue_dma source(%dma_start3A_383 : memref<4xf32, #tpu.memory_space<hbm>>) target(%dma_start3A_380 : memref<4xf32, #tpu.memory_space<vmem>>) target_semaphore(%arg15 : memref<!tpu.dma_semaphore, #tpu.memory_space<semaphore_mem>>)
      %mul3A_384 = arith.constant 16 : i32
      %mul3A_385 = arith.muli %scan3A_20, %mul3A_384 : i32
      %add3A_386 = arith.constant 12 : i32
      %add3A_387 = arith.addi %mul3A_385, %add3A_386 : i32
      %slice3A_388 = vector.extract_strided_slice %get3A_25 {offsets = [12], sizes = [1], strides = [1]} : vector<16xi32> to vector<1xi32>
      %squeeze3A_389 = vector.extract %slice3A_388[0] : i32 from vector<1xi32>
      %dma_start3A_390 = arith.constant 0 : i32
      %dma_start3A_391 = tpu.memref_slice %arg11[%add3A_387, %dma_start3A_390] : memref<80x91xf32, #tpu.memory_space<vmem>> -> memref<1x91xf32, #tpu.memory_space<vmem>>
      %dma_start3A_392 = tpu.memref_squeeze %dma_start3A_391 : memref<1x91xf32, #tpu.memory_space<vmem>> -> memref<91xf32, #tpu.memory_space<vmem>>
      %dma_start3A_393 = arith.constant 0 : i32
      %dma_start3A_394 = tpu.memref_slice %arg4[%squeeze3A_389, %dma_start3A_393] : memref<160000x91xf32, #tpu.memory_space<hbm>> -> memref<1x91xf32, #tpu.memory_space<hbm>>
      %dma_start3A_395 = tpu.memref_squeeze %dma_start3A_394 : memref<1x91xf32, #tpu.memory_space<hbm>> -> memref<91xf32, #tpu.memory_space<hbm>>
      %dma_start3A_396 = arith.constant 0 : i32
      %dma_start3A_397 = tpu.memref_slice %arg11[%add3A_387, %dma_start3A_396] : memref<80x91xf32, #tpu.memory_space<vmem>> -> memref<1x91xf32, #tpu.memory_space<vmem>>
      %dma_start3A_398 = tpu.memref_squeeze %dma_start3A_397 : memref<1x91xf32, #tpu.memory_space<vmem>> -> memref<91xf32, #tpu.memory_space<vmem>>
      %dma_start3A_399 = arith.constant 0 : i32
      %dma_start3A_400 = tpu.memref_slice %arg4[%squeeze3A_389, %dma_start3A_399] : memref<160000x91xf32, #tpu.memory_space<hbm>> -> memref<1x91xf32, #tpu.memory_space<hbm>>
      %dma_start3A_401 = tpu.memref_squeeze %dma_start3A_400 : memref<1x91xf32, #tpu.memory_space<hbm>> -> memref<91xf32, #tpu.memory_space<hbm>>
      tpu.enqueue_dma source(%dma_start3A_401 : memref<91xf32, #tpu.memory_space<hbm>>) target(%dma_start3A_398 : memref<91xf32, #tpu.memory_space<vmem>>) target_semaphore(%arg14 : memref<!tpu.dma_semaphore, #tpu.memory_space<semaphore_mem>>)
      %dma_start3A_402 = arith.constant 0 : i32
      %dma_start3A_403 = tpu.memref_slice %arg12[%add3A_387, %dma_start3A_402] : memref<80x4xf32, #tpu.memory_space<vmem>> -> memref<1x4xf32, #tpu.memory_space<vmem>>
      %dma_start3A_404 = tpu.memref_squeeze %dma_start3A_403 : memref<1x4xf32, #tpu.memory_space<vmem>> -> memref<4xf32, #tpu.memory_space<vmem>>
      %dma_start3A_405 = arith.constant 0 : i32
      %dma_start3A_406 = tpu.memref_slice %arg5[%squeeze3A_389, %dma_start3A_405] : memref<160000x4xf32, #tpu.memory_space<hbm>> -> memref<1x4xf32, #tpu.memory_space<hbm>>
      %dma_start3A_407 = tpu.memref_squeeze %dma_start3A_406 : memref<1x4xf32, #tpu.memory_space<hbm>> -> memref<4xf32, #tpu.memory_space<hbm>>
      %dma_start3A_408 = arith.constant 0 : i32
      %dma_start3A_409 = tpu.memref_slice %arg12[%add3A_387, %dma_start3A_408] : memref<80x4xf32, #tpu.memory_space<vmem>> -> memref<1x4xf32, #tpu.memory_space<vmem>>
      %dma_start3A_410 = tpu.memref_squeeze %dma_start3A_409 : memref<1x4xf32, #tpu.memory_space<vmem>> -> memref<4xf32, #tpu.memory_space<vmem>>
      %dma_start3A_411 = arith.constant 0 : i32
      %dma_start3A_412 = tpu.memref_slice %arg5[%squeeze3A_389, %dma_start3A_411] : memref<160000x4xf32, #tpu.memory_space<hbm>> -> memref<1x4xf32, #tpu.memory_space<hbm>>
      %dma_start3A_413 = tpu.memref_squeeze %dma_start3A_412 : memref<1x4xf32, #tpu.memory_space<hbm>> -> memref<4xf32, #tpu.memory_space<hbm>>
      tpu.enqueue_dma source(%dma_start3A_413 : memref<4xf32, #tpu.memory_space<hbm>>) target(%dma_start3A_410 : memref<4xf32, #tpu.memory_space<vmem>>) target_semaphore(%arg15 : memref<!tpu.dma_semaphore, #tpu.memory_space<semaphore_mem>>)
      %mul3A_414 = arith.constant 16 : i32
      %mul3A_415 = arith.muli %scan3A_20, %mul3A_414 : i32
      %add3A_416 = arith.constant 13 : i32
      %add3A_417 = arith.addi %mul3A_415, %add3A_416 : i32
      %slice3A_418 = vector.extract_strided_slice %get3A_25 {offsets = [13], sizes = [1], strides = [1]} : vector<16xi32> to vector<1xi32>
      %squeeze3A_419 = vector.extract %slice3A_418[0] : i32 from vector<1xi32>
      %dma_start3A_420 = arith.constant 0 : i32
      %dma_start3A_421 = tpu.memref_slice %arg11[%add3A_417, %dma_start3A_420] : memref<80x91xf32, #tpu.memory_space<vmem>> -> memref<1x91xf32, #tpu.memory_space<vmem>>
      %dma_start3A_422 = tpu.memref_squeeze %dma_start3A_421 : memref<1x91xf32, #tpu.memory_space<vmem>> -> memref<91xf32, #tpu.memory_space<vmem>>
      %dma_start3A_423 = arith.constant 0 : i32
      %dma_start3A_424 = tpu.memref_slice %arg4[%squeeze3A_419, %dma_start3A_423] : memref<160000x91xf32, #tpu.memory_space<hbm>> -> memref<1x91xf32, #tpu.memory_space<hbm>>
      %dma_start3A_425 = tpu.memref_squeeze %dma_start3A_424 : memref<1x91xf32, #tpu.memory_space<hbm>> -> memref<91xf32, #tpu.memory_space<hbm>>
      %dma_start3A_426 = arith.constant 0 : i32
      %dma_start3A_427 = tpu.memref_slice %arg11[%add3A_417, %dma_start3A_426] : memref<80x91xf32, #tpu.memory_space<vmem>> -> memref<1x91xf32, #tpu.memory_space<vmem>>
      %dma_start3A_428 = tpu.memref_squeeze %dma_start3A_427 : memref<1x91xf32, #tpu.memory_space<vmem>> -> memref<91xf32, #tpu.memory_space<vmem>>
      %dma_start3A_429 = arith.constant 0 : i32
      %dma_start3A_430 = tpu.memref_slice %arg4[%squeeze3A_419, %dma_start3A_429] : memref<160000x91xf32, #tpu.memory_space<hbm>> -> memref<1x91xf32, #tpu.memory_space<hbm>>
      %dma_start3A_431 = tpu.memref_squeeze %dma_start3A_430 : memref<1x91xf32, #tpu.memory_space<hbm>> -> memref<91xf32, #tpu.memory_space<hbm>>
      tpu.enqueue_dma source(%dma_start3A_431 : memref<91xf32, #tpu.memory_space<hbm>>) target(%dma_start3A_428 : memref<91xf32, #tpu.memory_space<vmem>>) target_semaphore(%arg14 : memref<!tpu.dma_semaphore, #tpu.memory_space<semaphore_mem>>)
      %dma_start3A_432 = arith.constant 0 : i32
      %dma_start3A_433 = tpu.memref_slice %arg12[%add3A_417, %dma_start3A_432] : memref<80x4xf32, #tpu.memory_space<vmem>> -> memref<1x4xf32, #tpu.memory_space<vmem>>
      %dma_start3A_434 = tpu.memref_squeeze %dma_start3A_433 : memref<1x4xf32, #tpu.memory_space<vmem>> -> memref<4xf32, #tpu.memory_space<vmem>>
      %dma_start3A_435 = arith.constant 0 : i32
      %dma_start3A_436 = tpu.memref_slice %arg5[%squeeze3A_419, %dma_start3A_435] : memref<160000x4xf32, #tpu.memory_space<hbm>> -> memref<1x4xf32, #tpu.memory_space<hbm>>
      %dma_start3A_437 = tpu.memref_squeeze %dma_start3A_436 : memref<1x4xf32, #tpu.memory_space<hbm>> -> memref<4xf32, #tpu.memory_space<hbm>>
      %dma_start3A_438 = arith.constant 0 : i32
      %dma_start3A_439 = tpu.memref_slice %arg12[%add3A_417, %dma_start3A_438] : memref<80x4xf32, #tpu.memory_space<vmem>> -> memref<1x4xf32, #tpu.memory_space<vmem>>
      %dma_start3A_440 = tpu.memref_squeeze %dma_start3A_439 : memref<1x4xf32, #tpu.memory_space<vmem>> -> memref<4xf32, #tpu.memory_space<vmem>>
      %dma_start3A_441 = arith.constant 0 : i32
      %dma_start3A_442 = tpu.memref_slice %arg5[%squeeze3A_419, %dma_start3A_441] : memref<160000x4xf32, #tpu.memory_space<hbm>> -> memref<1x4xf32, #tpu.memory_space<hbm>>
      %dma_start3A_443 = tpu.memref_squeeze %dma_start3A_442 : memref<1x4xf32, #tpu.memory_space<hbm>> -> memref<4xf32, #tpu.memory_space<hbm>>
      tpu.enqueue_dma source(%dma_start3A_443 : memref<4xf32, #tpu.memory_space<hbm>>) target(%dma_start3A_440 : memref<4xf32, #tpu.memory_space<vmem>>) target_semaphore(%arg15 : memref<!tpu.dma_semaphore, #tpu.memory_space<semaphore_mem>>)
      %mul3A_444 = arith.constant 16 : i32
      %mul3A_445 = arith.muli %scan3A_20, %mul3A_444 : i32
      %add3A_446 = arith.constant 14 : i32
      %add3A_447 = arith.addi %mul3A_445, %add3A_446 : i32
      %slice3A_448 = vector.extract_strided_slice %get3A_25 {offsets = [14], sizes = [1], strides = [1]} : vector<16xi32> to vector<1xi32>
      %squeeze3A_449 = vector.extract %slice3A_448[0] : i32 from vector<1xi32>
      %dma_start3A_450 = arith.constant 0 : i32
      %dma_start3A_451 = tpu.memref_slice %arg11[%add3A_447, %dma_start3A_450] : memref<80x91xf32, #tpu.memory_space<vmem>> -> memref<1x91xf32, #tpu.memory_space<vmem>>
      %dma_start3A_452 = tpu.memref_squeeze %dma_start3A_451 : memref<1x91xf32, #tpu.memory_space<vmem>> -> memref<91xf32, #tpu.memory_space<vmem>>
      %dma_start3A_453 = arith.constant 0 : i32
      %dma_start3A_454 = tpu.memref_slice %arg4[%squeeze3A_449, %dma_start3A_453] : memref<160000x91xf32, #tpu.memory_space<hbm>> -> memref<1x91xf32, #tpu.memory_space<hbm>>
      %dma_start3A_455 = tpu.memref_squeeze %dma_start3A_454 : memref<1x91xf32, #tpu.memory_space<hbm>> -> memref<91xf32, #tpu.memory_space<hbm>>
      %dma_start3A_456 = arith.constant 0 : i32
      %dma_start3A_457 = tpu.memref_slice %arg11[%add3A_447, %dma_start3A_456] : memref<80x91xf32, #tpu.memory_space<vmem>> -> memref<1x91xf32, #tpu.memory_space<vmem>>
      %dma_start3A_458 = tpu.memref_squeeze %dma_start3A_457 : memref<1x91xf32, #tpu.memory_space<vmem>> -> memref<91xf32, #tpu.memory_space<vmem>>
      %dma_start3A_459 = arith.constant 0 : i32
      %dma_start3A_460 = tpu.memref_slice %arg4[%squeeze3A_449, %dma_start3A_459] : memref<160000x91xf32, #tpu.memory_space<hbm>> -> memref<1x91xf32, #tpu.memory_space<hbm>>
      %dma_start3A_461 = tpu.memref_squeeze %dma_start3A_460 : memref<1x91xf32, #tpu.memory_space<hbm>> -> memref<91xf32, #tpu.memory_space<hbm>>
      tpu.enqueue_dma source(%dma_start3A_461 : memref<91xf32, #tpu.memory_space<hbm>>) target(%dma_start3A_458 : memref<91xf32, #tpu.memory_space<vmem>>) target_semaphore(%arg14 : memref<!tpu.dma_semaphore, #tpu.memory_space<semaphore_mem>>)
      %dma_start3A_462 = arith.constant 0 : i32
      %dma_start3A_463 = tpu.memref_slice %arg12[%add3A_447, %dma_start3A_462] : memref<80x4xf32, #tpu.memory_space<vmem>> -> memref<1x4xf32, #tpu.memory_space<vmem>>
      %dma_start3A_464 = tpu.memref_squeeze %dma_start3A_463 : memref<1x4xf32, #tpu.memory_space<vmem>> -> memref<4xf32, #tpu.memory_space<vmem>>
      %dma_start3A_465 = arith.constant 0 : i32
      %dma_start3A_466 = tpu.memref_slice %arg5[%squeeze3A_449, %dma_start3A_465] : memref<160000x4xf32, #tpu.memory_space<hbm>> -> memref<1x4xf32, #tpu.memory_space<hbm>>
      %dma_start3A_467 = tpu.memref_squeeze %dma_start3A_466 : memref<1x4xf32, #tpu.memory_space<hbm>> -> memref<4xf32, #tpu.memory_space<hbm>>
      %dma_start3A_468 = arith.constant 0 : i32
      %dma_start3A_469 = tpu.memref_slice %arg12[%add3A_447, %dma_start3A_468] : memref<80x4xf32, #tpu.memory_space<vmem>> -> memref<1x4xf32, #tpu.memory_space<vmem>>
      %dma_start3A_470 = tpu.memref_squeeze %dma_start3A_469 : memref<1x4xf32, #tpu.memory_space<vmem>> -> memref<4xf32, #tpu.memory_space<vmem>>
      %dma_start3A_471 = arith.constant 0 : i32
      %dma_start3A_472 = tpu.memref_slice %arg5[%squeeze3A_449, %dma_start3A_471] : memref<160000x4xf32, #tpu.memory_space<hbm>> -> memref<1x4xf32, #tpu.memory_space<hbm>>
      %dma_start3A_473 = tpu.memref_squeeze %dma_start3A_472 : memref<1x4xf32, #tpu.memory_space<hbm>> -> memref<4xf32, #tpu.memory_space<hbm>>
      tpu.enqueue_dma source(%dma_start3A_473 : memref<4xf32, #tpu.memory_space<hbm>>) target(%dma_start3A_470 : memref<4xf32, #tpu.memory_space<vmem>>) target_semaphore(%arg15 : memref<!tpu.dma_semaphore, #tpu.memory_space<semaphore_mem>>)
      %mul3A_474 = arith.constant 16 : i32
      %mul3A_475 = arith.muli %scan3A_20, %mul3A_474 : i32
      %add3A_476 = arith.constant 15 : i32
      %add3A_477 = arith.addi %mul3A_475, %add3A_476 : i32
      %slice3A_478 = vector.extract_strided_slice %get3A_25 {offsets = [15], sizes = [1], strides = [1]} : vector<16xi32> to vector<1xi32>
      %squeeze3A_479 = vector.extract %slice3A_478[0] : i32 from vector<1xi32>
      %dma_start3A_480 = arith.constant 0 : i32
      %dma_start3A_481 = tpu.memref_slice %arg11[%add3A_477, %dma_start3A_480] : memref<80x91xf32, #tpu.memory_space<vmem>> -> memref<1x91xf32, #tpu.memory_space<vmem>>
      %dma_start3A_482 = tpu.memref_squeeze %dma_start3A_481 : memref<1x91xf32, #tpu.memory_space<vmem>> -> memref<91xf32, #tpu.memory_space<vmem>>
      %dma_start3A_483 = arith.constant 0 : i32
      %dma_start3A_484 = tpu.memref_slice %arg4[%squeeze3A_479, %dma_start3A_483] : memref<160000x91xf32, #tpu.memory_space<hbm>> -> memref<1x91xf32, #tpu.memory_space<hbm>>
      %dma_start3A_485 = tpu.memref_squeeze %dma_start3A_484 : memref<1x91xf32, #tpu.memory_space<hbm>> -> memref<91xf32, #tpu.memory_space<hbm>>
      %dma_start3A_486 = arith.constant 0 : i32
      %dma_start3A_487 = tpu.memref_slice %arg11[%add3A_477, %dma_start3A_486] : memref<80x91xf32, #tpu.memory_space<vmem>> -> memref<1x91xf32, #tpu.memory_space<vmem>>
      %dma_start3A_488 = tpu.memref_squeeze %dma_start3A_487 : memref<1x91xf32, #tpu.memory_space<vmem>> -> memref<91xf32, #tpu.memory_space<vmem>>
      %dma_start3A_489 = arith.constant 0 : i32
      %dma_start3A_490 = tpu.memref_slice %arg4[%squeeze3A_479, %dma_start3A_489] : memref<160000x91xf32, #tpu.memory_space<hbm>> -> memref<1x91xf32, #tpu.memory_space<hbm>>
      %dma_start3A_491 = tpu.memref_squeeze %dma_start3A_490 : memref<1x91xf32, #tpu.memory_space<hbm>> -> memref<91xf32, #tpu.memory_space<hbm>>
      tpu.enqueue_dma source(%dma_start3A_491 : memref<91xf32, #tpu.memory_space<hbm>>) target(%dma_start3A_488 : memref<91xf32, #tpu.memory_space<vmem>>) target_semaphore(%arg14 : memref<!tpu.dma_semaphore, #tpu.memory_space<semaphore_mem>>)
      %dma_start3A_492 = arith.constant 0 : i32
      %dma_start3A_493 = tpu.memref_slice %arg12[%add3A_477, %dma_start3A_492] : memref<80x4xf32, #tpu.memory_space<vmem>> -> memref<1x4xf32, #tpu.memory_space<vmem>>
      %dma_start3A_494 = tpu.memref_squeeze %dma_start3A_493 : memref<1x4xf32, #tpu.memory_space<vmem>> -> memref<4xf32, #tpu.memory_space<vmem>>
      %dma_start3A_495 = arith.constant 0 : i32
      %dma_start3A_496 = tpu.memref_slice %arg5[%squeeze3A_479, %dma_start3A_495] : memref<160000x4xf32, #tpu.memory_space<hbm>> -> memref<1x4xf32, #tpu.memory_space<hbm>>
      %dma_start3A_497 = tpu.memref_squeeze %dma_start3A_496 : memref<1x4xf32, #tpu.memory_space<hbm>> -> memref<4xf32, #tpu.memory_space<hbm>>
      %dma_start3A_498 = arith.constant 0 : i32
      %dma_start3A_499 = tpu.memref_slice %arg12[%add3A_477, %dma_start3A_498] : memref<80x4xf32, #tpu.memory_space<vmem>> -> memref<1x4xf32, #tpu.memory_space<vmem>>
      %dma_start3A_500 = tpu.memref_squeeze %dma_start3A_499 : memref<1x4xf32, #tpu.memory_space<vmem>> -> memref<4xf32, #tpu.memory_space<vmem>>
      %dma_start3A_501 = arith.constant 0 : i32
      %dma_start3A_502 = tpu.memref_slice %arg5[%squeeze3A_479, %dma_start3A_501] : memref<160000x4xf32, #tpu.memory_space<hbm>> -> memref<1x4xf32, #tpu.memory_space<hbm>>
      %dma_start3A_503 = tpu.memref_squeeze %dma_start3A_502 : memref<1x4xf32, #tpu.memory_space<hbm>> -> memref<4xf32, #tpu.memory_space<hbm>>
      tpu.enqueue_dma source(%dma_start3A_503 : memref<4xf32, #tpu.memory_space<hbm>>) target(%dma_start3A_500 : memref<4xf32, #tpu.memory_space<vmem>>) target_semaphore(%arg15 : memref<!tpu.dma_semaphore, #tpu.memory_space<semaphore_mem>>)
      %scan3A_504 = arith.constant 0 : i32
      scf.yield %scan3A_504 : i32
    }
    %scan3A_10 = arith.constant 5 : i32
    %scan3A_11 = arith.constant 0 : i32
    %scan3A_12 = arith.constant 0 : i32
    %scan3A_13 = arith.constant 80 : i32
    %scan3A_14 = arith.addi %scan3A_12, %scan3A_13 : i32
    %scan3A_15 = arith.constant 1 : i32
    %scan3A_16 = scf.for %scan3A_20 = %scan3A_12 to %scan3A_14 step %scan3A_15 iter_args(%scan3A_21 = %scan3A_11) -> (i32)  : i32 {
      %dma_wait3A_22 = arith.constant 0 : i32
      %dma_wait3A_23 = arith.constant 0 : i32
      %dma_wait3A_24 = tpu.memref_slice %arg11[%scan3A_20, %dma_wait3A_23] : memref<80x91xf32, #tpu.memory_space<vmem>> -> memref<1x91xf32, #tpu.memory_space<vmem>>
      %dma_wait3A_25 = tpu.memref_squeeze %dma_wait3A_24 : memref<1x91xf32, #tpu.memory_space<vmem>> -> memref<91xf32, #tpu.memory_space<vmem>>
      %dma_wait3A_26 = arith.constant 0 : i32
      %dma_wait3A_27 = tpu.memref_slice %arg4[%dma_wait3A_22, %dma_wait3A_26] : memref<160000x91xf32, #tpu.memory_space<hbm>> -> memref<1x91xf32, #tpu.memory_space<hbm>>
      %dma_wait3A_28 = tpu.memref_squeeze %dma_wait3A_27 : memref<1x91xf32, #tpu.memory_space<hbm>> -> memref<91xf32, #tpu.memory_space<hbm>>
      %dma_wait3A_29 = arith.constant 0 : i32
      %dma_wait3A_30 = tpu.memref_slice %arg11[%scan3A_20, %dma_wait3A_29] : memref<80x91xf32, #tpu.memory_space<vmem>> -> memref<1x91xf32, #tpu.memory_space<vmem>>
      %dma_wait3A_31 = tpu.memref_squeeze %dma_wait3A_30 : memref<1x91xf32, #tpu.memory_space<vmem>> -> memref<91xf32, #tpu.memory_space<vmem>>
      %dma_wait3A_32 = arith.constant 0 : i32
      %dma_wait3A_33 = tpu.memref_slice %arg4[%dma_wait3A_22, %dma_wait3A_32] : memref<160000x91xf32, #tpu.memory_space<hbm>> -> memref<1x91xf32, #tpu.memory_space<hbm>>
      %dma_wait3A_34 = tpu.memref_squeeze %dma_wait3A_33 : memref<1x91xf32, #tpu.memory_space<hbm>> -> memref<91xf32, #tpu.memory_space<hbm>>
      tpu.wait_dma2 semaphore(%arg14 : memref<!tpu.dma_semaphore, #tpu.memory_space<semaphore_mem>>) src(%dma_wait3A_34 : memref<91xf32, #tpu.memory_space<hbm>>) dst(%dma_wait3A_31 : memref<91xf32, #tpu.memory_space<vmem>>)
      %dma_wait3A_35 = arith.constant 0 : i32
      %dma_wait3A_36 = arith.constant 0 : i32
      %dma_wait3A_37 = tpu.memref_slice %arg12[%scan3A_20, %dma_wait3A_36] : memref<80x4xf32, #tpu.memory_space<vmem>> -> memref<1x4xf32, #tpu.memory_space<vmem>>
      %dma_wait3A_38 = tpu.memref_squeeze %dma_wait3A_37 : memref<1x4xf32, #tpu.memory_space<vmem>> -> memref<4xf32, #tpu.memory_space<vmem>>
      %dma_wait3A_39 = arith.constant 0 : i32
      %dma_wait3A_40 = tpu.memref_slice %arg5[%dma_wait3A_35, %dma_wait3A_39] : memref<160000x4xf32, #tpu.memory_space<hbm>> -> memref<1x4xf32, #tpu.memory_space<hbm>>
      %dma_wait3A_41 = tpu.memref_squeeze %dma_wait3A_40 : memref<1x4xf32, #tpu.memory_space<hbm>> -> memref<4xf32, #tpu.memory_space<hbm>>
      %dma_wait3A_42 = arith.constant 0 : i32
      %dma_wait3A_43 = tpu.memref_slice %arg12[%scan3A_20, %dma_wait3A_42] : memref<80x4xf32, #tpu.memory_space<vmem>> -> memref<1x4xf32, #tpu.memory_space<vmem>>
      %dma_wait3A_44 = tpu.memref_squeeze %dma_wait3A_43 : memref<1x4xf32, #tpu.memory_space<vmem>> -> memref<4xf32, #tpu.memory_space<vmem>>
      %dma_wait3A_45 = arith.constant 0 : i32
      %dma_wait3A_46 = tpu.memref_slice %arg5[%dma_wait3A_35, %dma_wait3A_45] : memref<160000x4xf32, #tpu.memory_space<hbm>> -> memref<1x4xf32, #tpu.memory_space<hbm>>
      %dma_wait3A_47 = tpu.memref_squeeze %dma_wait3A_46 : memref<1x4xf32, #tpu.memory_space<hbm>> -> memref<4xf32, #tpu.memory_space<hbm>>
      tpu.wait_dma2 semaphore(%arg15 : memref<!tpu.dma_semaphore, #tpu.memory_space<semaphore_mem>>) src(%dma_wait3A_47 : memref<4xf32, #tpu.memory_space<hbm>>) dst(%dma_wait3A_44 : memref<4xf32, #tpu.memory_space<vmem>>)
      %scan3A_48 = arith.constant 0 : i32
      scf.yield %scan3A_48 : i32
    }
    %scan3A_17 = arith.constant 80 : i32
    %dma_wait3A = arith.constant 0 : i32
    %dma_wait3A_18 = arith.constant 0 : i32
    %dma_wait3A_19 = tpu.memref_slice %arg3[%dma_wait3A, %dma_wait3A_18] : memref<160000x256xf32, #tpu.memory_space<hbm>> -> memref<160000x256xf32, #tpu.memory_space<hbm>>
    tpu.wait_indirect_dma semaphore(%arg13 : memref<!tpu.dma_semaphore, #tpu.memory_space<semaphore_mem>>) src(%dma_wait3A_19 : memref<160000x256xf32, #tpu.memory_space<hbm>>) dst(%arg10 : memref<80x256xf32, #tpu.memory_space<vmem>>)
    "tpu.region"() ({
      %run_scoped3A = tpu.sem_alloc : memref<!tpu.dma_semaphore, #tpu.memory_space<semaphore_mem>>
      %dma_start3A_20 = arith.constant 0 : i32
      %dma_start3A_21 = tpu.memref_slice %arg6[%mul3A_2, %dma_start3A_20] : memref<2560x256xf32, #tpu.memory_space<hbm>> -> memref<80x256xf32, #tpu.memory_space<hbm>>
      %dma_start3A_22 = arith.constant 0 : i32
      %dma_start3A_23 = tpu.memref_slice %arg6[%mul3A_2, %dma_start3A_22] : memref<2560x256xf32, #tpu.memory_space<hbm>> -> memref<80x256xf32, #tpu.memory_space<hbm>>
      tpu.enqueue_dma source(%arg10 : memref<80x256xf32, #tpu.memory_space<vmem>>) target(%dma_start3A_23 : memref<80x256xf32, #tpu.memory_space<hbm>>) target_semaphore(%run_scoped3A : memref<!tpu.dma_semaphore, #tpu.memory_space<semaphore_mem>>)
      %dma_wait3A_24 = arith.constant 0 : i32
      %dma_wait3A_25 = tpu.memref_slice %arg6[%mul3A_2, %dma_wait3A_24] : memref<2560x256xf32, #tpu.memory_space<hbm>> -> memref<80x256xf32, #tpu.memory_space<hbm>>
      %dma_wait3A_26 = arith.constant 0 : i32
      %dma_wait3A_27 = tpu.memref_slice %arg6[%mul3A_2, %dma_wait3A_26] : memref<2560x256xf32, #tpu.memory_space<hbm>> -> memref<80x256xf32, #tpu.memory_space<hbm>>
      tpu.wait_dma2 semaphore(%run_scoped3A : memref<!tpu.dma_semaphore, #tpu.memory_space<semaphore_mem>>) src(%arg10 : memref<80x256xf32, #tpu.memory_space<vmem>>) dst(%dma_wait3A_27 : memref<80x256xf32, #tpu.memory_space<hbm>>)
      tpu.yield
    }) : () -> ()
    "tpu.region"() ({
      %run_scoped3A = tpu.sem_alloc : memref<!tpu.dma_semaphore, #tpu.memory_space<semaphore_mem>>
      %dma_start3A_20 = arith.constant 0 : i32
      %dma_start3A_21 = tpu.memref_slice %arg7[%mul3A_2, %dma_start3A_20] : memref<2560x91xf32, #tpu.memory_space<hbm>> -> memref<80x91xf32, #tpu.memory_space<hbm>>
      %dma_start3A_22 = arith.constant 0 : i32
      %dma_start3A_23 = tpu.memref_slice %arg7[%mul3A_2, %dma_start3A_22] : memref<2560x91xf32, #tpu.memory_space<hbm>> -> memref<80x91xf32, #tpu.memory_space<hbm>>
      tpu.enqueue_dma source(%arg11 : memref<80x91xf32, #tpu.memory_space<vmem>>) target(%dma_start3A_23 : memref<80x91xf32, #tpu.memory_space<hbm>>) target_semaphore(%run_scoped3A : memref<!tpu.dma_semaphore, #tpu.memory_space<semaphore_mem>>)
      %dma_wait3A_24 = arith.constant 0 : i32
      %dma_wait3A_25 = tpu.memref_slice %arg7[%mul3A_2, %dma_wait3A_24] : memref<2560x91xf32, #tpu.memory_space<hbm>> -> memref<80x91xf32, #tpu.memory_space<hbm>>
      %dma_wait3A_26 = arith.constant 0 : i32
      %dma_wait3A_27 = tpu.memref_slice %arg7[%mul3A_2, %dma_wait3A_26] : memref<2560x91xf32, #tpu.memory_space<hbm>> -> memref<80x91xf32, #tpu.memory_space<hbm>>
      tpu.wait_dma2 semaphore(%run_scoped3A : memref<!tpu.dma_semaphore, #tpu.memory_space<semaphore_mem>>) src(%arg11 : memref<80x91xf32, #tpu.memory_space<vmem>>) dst(%dma_wait3A_27 : memref<80x91xf32, #tpu.memory_space<hbm>>)
      tpu.yield
    }) : () -> ()
    "tpu.region"() ({
      %run_scoped3A = tpu.sem_alloc : memref<!tpu.dma_semaphore, #tpu.memory_space<semaphore_mem>>
      %dma_start3A_20 = arith.constant 0 : i32
      %dma_start3A_21 = tpu.memref_slice %arg8[%mul3A_2, %dma_start3A_20] : memref<2560x4xf32, #tpu.memory_space<hbm>> -> memref<80x4xf32, #tpu.memory_space<hbm>>
      %dma_start3A_22 = arith.constant 0 : i32
      %dma_start3A_23 = tpu.memref_slice %arg8[%mul3A_2, %dma_start3A_22] : memref<2560x4xf32, #tpu.memory_space<hbm>> -> memref<80x4xf32, #tpu.memory_space<hbm>>
      tpu.enqueue_dma source(%arg12 : memref<80x4xf32, #tpu.memory_space<vmem>>) target(%dma_start3A_23 : memref<80x4xf32, #tpu.memory_space<hbm>>) target_semaphore(%run_scoped3A : memref<!tpu.dma_semaphore, #tpu.memory_space<semaphore_mem>>)
      %dma_wait3A_24 = arith.constant 0 : i32
      %dma_wait3A_25 = tpu.memref_slice %arg8[%mul3A_2, %dma_wait3A_24] : memref<2560x4xf32, #tpu.memory_space<hbm>> -> memref<80x4xf32, #tpu.memory_space<hbm>>
      %dma_wait3A_26 = arith.constant 0 : i32
      %dma_wait3A_27 = tpu.memref_slice %arg8[%mul3A_2, %dma_wait3A_26] : memref<2560x4xf32, #tpu.memory_space<hbm>> -> memref<80x4xf32, #tpu.memory_space<hbm>>
      tpu.wait_dma2 semaphore(%run_scoped3A : memref<!tpu.dma_semaphore, #tpu.memory_space<semaphore_mem>>) src(%arg12 : memref<80x4xf32, #tpu.memory_space<vmem>>) dst(%dma_wait3A_27 : memref<80x4xf32, #tpu.memory_space<hbm>>)
      tpu.yield
    }) : () -> ()
    return
  }
}

module attributes {stable_mosaic.version = 14 : i64} {
  func.func @_scores_body(%arg0: i32, %arg1: i32, %arg2: memref<1x2000x91xf32, #tpu.memory_space<vmem>>, %arg3: memref<1x1x1x2000xf32, #tpu.memory_space<vmem>>) attributes {dimension_semantics = [#tpu.dimension_semantics<arbitrary>, #tpu.dimension_semantics<arbitrary>], iteration_bounds = array<i64: 8, 10>, scalar_prefetch = 0 : i64, scratch_operands = 0 : i64, tpu.core_type = #tpu.core_type<tc>, window_params = [{transform_indices = @transform_0, window_bounds = array<i64: 1, 2000, 91>}, {transform_indices = @transform_1, window_bounds = array<i64: 1, 1, 1, 2000>}]} {
    %get3A = arith.constant 0 : index
    %get3A_0 = arith.constant 0 : index
    %get3A_1 = arith.constant 0 : index
    %get3A_2 = vector.load %arg2[%get3A, %get3A_0, %get3A_1] : memref<1x2000x91xf32, #tpu.memory_space<vmem>>, vector<1x2000x91xf32>
    %reduce_max3A = arith.constant dense<0xFF800000> : vector<1x2000xf32>
    %reduce_max3A_3 = vector.multi_reduction <maximumf>, %get3A_2, %reduce_max3A [2] : vector<1x2000x91xf32> to vector<1x2000xf32>
    %squeeze3A = vector.shape_cast %reduce_max3A_3 : vector<1x2000xf32> to vector<2000xf32>
    %swap3A = arith.constant 0 : index
    %swap3A_4 = arith.constant 0 : index
    %swap3A_5 = arith.constant 0 : index
    %swap3A_6 = arith.constant 0 : index
    %swap3A_7 = vector.load %arg3[%swap3A, %swap3A_4, %swap3A_5, %swap3A_6] : memref<1x1x1x2000xf32, #tpu.memory_space<vmem>>, vector<1x1x1x2000xf32>
    %swap3A_8 = vector.shape_cast %swap3A_7 : vector<1x1x1x2000xf32> to vector<2000xf32>
    %swap3A_9 = vector.shape_cast %squeeze3A : vector<2000xf32> to vector<1x1x1x2000xf32>
    tpu.vector_store %arg3[%swap3A, %swap3A_4, %swap3A_5, %swap3A_6], %swap3A_9 {strides = array<i32>} : memref<1x1x1x2000xf32, #tpu.memory_space<vmem>>, vector<1x1x1x2000xf32>,
    return
  }
  func.func @transform_0(%arg0: i32, %arg1: i32) -> (i32, i32, i32) {
    %c0_i32 = arith.constant 0 : i32
    %c0_i32_0 = arith.constant 0 : i32
    return %arg0, %arg1, %c0_i32 : i32, i32, i32
  }
  func.func @transform_1(%arg0: i32, %arg1: i32) -> (i32, i32, i32, i32) {
    %c0_i32 = arith.constant 0 : i32
    %c0_i32_0 = arith.constant 0 : i32
    %c0_i32_1 = arith.constant 0 : i32
    return %arg0, %arg1, %c0_i32, %c0_i32_0 : i32, i32, i32, i32
  }
}

</mosaic_0001>

<sc_bundles>
// kernel: kernel.4.cloned.1.call-start
scs
__scs_entry_jumppad:
0x0: {  	(pc) =	sbr.rel $0x88, $3  }
0x1: {  	(tag) =	ssettag $0x0;
	lr =	simm.s32 $0x1  }
0x2: {  	[smem:$0x3F9E] =	sst lr;
	_ =	strace $0xD0000000  }
0x3: {  	_ = 	snop  }
0x4: {  	_ = 	snop  }
0x5: {  	_ = 	snop  }
0x6: {  	_ = 	snop  }
0x7: {  	_ = 	snop  }
__scs_overlays_trampoline_lowered:
0x8: {  	[smem:$0x3FAD] =	sst s0  }
0x9: {  	[smem:$0x3FAE] =	sst s1  }
0xa: {  	[smem:$0x3FAF] =	sst s2  }
0xb: {  	[smem:$0x3FB0] =	sst s3  }
0xc: {  	[smem:$0x3FB1] =	sst s4  }
0xd: {  	[smem:$0x3FB2] =	sst s5  }
0xe: {  	[smem:$0x3FB3] =	sst s6  }
0xf: {  	[smem:$0x3FB4] =	sst s7  }
0x10: {  	[smem:$0x3FB5] =	sst s8  }
0x11: {  	[smem:$0x3FB6] =	sst s9;
	s0 =	simm.s32 @!p0 $0x0  }
0x12: {  	s1 =	sld [smem:$0x3F9C];
	s0 =	simm.s32 @p0 $0x1  }
0x13: {  	[smem:$0x3FB7] =	sst s0;
	s0 =	simm.s32 @!p1 $0x0  }
0x14: {  	s2 =	sld [smem:$0x3F9B];
	s0 =	simm.s32 @p1 $0x1  }
0x15: {  	[smem:$0x3FB8] =	sst s0;
	s0 =	simm.s32 @!p2 $0x0  }
0x16: {  	s3 =	sld [smem:$0x3FDB];
	s0 =	simm.s32 @p2 $0x1  }
0x17: {  	s4 =	simm.s32 $0x1BF5;
	[smem:$0x3FBA] =	sst s0  }
0x18: {  	s0 =	sld [smem:$0x3F9D];
	_ =	swait.ge [sflag:s4], $0x0  }
0x19: {  	s7 =	sld [smem:$0x3F9E]  }
0x1a: {  	s8 =	sadd.s32 $0xFFFFE003, lr  }
0x1b: {  	s9 =	sadd.s32 $0xFFFFFEF7, lr;
	s5 =	simm.s32 $0xFFFFFFFF;
	p2 =	slt.u32 s8, $0xFFFFF086  }
0x1c: {  	p1 =	slt.u32 s9, $0xF7A;
	s5 =	simm.s32 @!p2 $0x0  }
0x1d: {  	s5 =	simm.s32 @p1 $0x1;
	p0 =	seq.s32 s7, s2  }
0x1e: {  	s7 =	smul.u32 @!p0 $0xF7A, s2;
	p2 =	seq.s32 @!p0 s5, $0x0  }
0x1f: {  	s9 =	smul.u32 $0xF7A, s1;
	s8 =	simm.s32 @!p0 $0x1BF5;
	p2 =	por !p2, p0  }
0x20: {  	[sflag:s8] =	ssyncset.s32 @!p0 $0xFFFFF086;
	s6 =	sadd.s32 @!p0 s3, s7;
	s7 =	simm.s32 @!p0 $0x108  }
0x21: {  	s3 =	sadd.s32 s3, s9;
	s6 =	sadd.s32 @!p0 $0x88, s6;
	s7 =	simm.s32 @p2 $0x1082  }
0x22: {  	[simem:s7], [sflag:s8] =	dma.local @!p0 [hbm:s6], $0xF7A  }
0x23: {  	s9 =	sor.u32 $0xD0000000, s2;
	s6 =	simm.s32 $0x108;
	_ =	swait.ge @!p0 [sflag:s8], $0x0  }
0x24: {  	s3 =	sadd.s32 $0x88, s3;
	s6 =	simm.s32 @!p1 $0x1082;
	[sflag:s4] =	ssyncset.s32 $0xFFFFF086  }
0x25: {  	[simem:s6], [sflag:s4] =	dma.local [hbm:s3], $0xF7A  }
0x26: {  	[smem:$0x3F9E] =	sst s1;
	(tag) =	ssettag s2;
	_ =	strace s9  }
0x27: {  	s1 =	sld [smem:$0x3FAE]  }
0x28: {  	s2 =	sld [smem:$0x3FAF]  }
0x29: {  	s4 =	sld [smem:$0x3FB1]  }
0x2a: {  	p0 =	seq.s32 s5, $0x0;
	s5 =	sld [smem:$0x3FB2]  }
0x2b: {  	s6 =	sld [smem:$0x3FB3]  }
0x2c: {  	s7 =	sld [smem:$0x3FB4]  }
0x2d: {  	s3 =	simm.s32 $0x108;
	s8 =	sld [smem:$0x3FB5]  }
0x2e: {  	s3 =	simm.s32 @!p0 $0x1082;
	s9 =	sld [smem:$0x3FB6]  }
0x2f: {  	lr =	sadd.s32 s0, s3;
	s0 =	sld [smem:$0x3FAD]  }
0x30: {  	s3 =	sld [smem:$0x3FB0]  }
0x31: {  	[smem:$0x3FB9] =	sst s10  }
0x32: {  	s10 =	sld [smem:$0x3FB7];
	_ =	sdelay $0x3  }
0x33: {  	p0 =	seq.s32 s10, $0x1;
	s10 =	sld [smem:$0x3FB9];
	_ =	sdelay $0x3  }
0x34: {  	[smem:$0x3FB9] =	sst s10  }
0x35: {  	s10 =	sld [smem:$0x3FB8];
	_ =	sdelay $0x3  }
0x36: {  	p1 =	seq.s32 s10, $0x1;
	s10 =	sld [smem:$0x3FB9];
	_ =	sdelay $0x3  }
0x37: {  	[smem:$0x3FB9] =	sst s10  }
0x38: {  	s10 =	sld [smem:$0x3FBA]  }
0x39: {  	_ = 	snop;
	(pc) =	sbr.ind lr, $3  }
0x3a: {  	_ = 	snop  }
0x3b: {  	_ = 	snop  }
0x3c: {  	p2 =	seq.s32 s10, $0x1;
	s10 =	sld [smem:$0x3FB9]  }
0x3d: {  	_ =	shalt  }
0x3e: {  	_ =	shalt  }
0x3f: {  	_ =	shalt  }
0x40: {  	_ =	shalt  }
0x41: {  	_ =	shalt  }
0x42: {  	_ =	shalt  }
0x43: {  	_ =	shalt  }
0x44: {  	_ =	shalt  }
0x45: {  	_ =	shalt  }
0x46: {  	_ =	shalt  }
0x47: {  	_ =	shalt  }
0x48: {  	_ =	shalt  }
0x49: {  	_ =	shalt  }
0x4a: {  	_ =	shalt  }
0x4b: {  	_ =	shalt  }
0x4c: {  	_ =	shalt  }
0x4d: {  	_ =	shalt  }
0x4e: {  	_ =	shalt  }
0x4f: {  	_ =	shalt  }
0x50: {  	_ =	shalt  }
0x51: {  	_ =	shalt  }
0x52: {  	_ =	shalt  }
0x53: {  	_ =	shalt  }
0x54: {  	_ =	shalt  }
0x55: {  	_ =	shalt  }
0x56: {  	_ =	shalt  }
0x57: {  	_ =	shalt  }
0x58: {  	_ =	shalt  }
0x59: {  	_ =	shalt  }
0x5a: {  	_ =	shalt  }
0x5b: {  	_ =	shalt  }
0x5c: {  	_ =	shalt  }
0x5d: {  	_ =	shalt  }
0x5e: {  	_ =	shalt  }
0x5f: {  	_ =	shalt  }
0x60: {  	_ =	shalt  }
0x61: {  	_ =	shalt  }
0x62: {  	_ =	shalt  }
0x63: {  	_ =	shalt  }
0x64: {  	_ =	shalt  }
0x65: {  	_ =	shalt  }
0x66: {  	_ =	shalt  }
0x67: {  	_ =	shalt  }
0x68: {  	_ =	shalt  }
0x69: {  	_ =	shalt  }
0x6a: {  	_ =	shalt  }
0x6b: {  	_ =	shalt  }
0x6c: {  	_ =	shalt  }
0x6d: {  	_ =	shalt  }
0x6e: {  	_ =	shalt  }
0x6f: {  	_ =	shalt  }
0x70: {  	_ =	shalt  }
0x71: {  	_ =	shalt  }
0x72: {  	_ =	shalt  }
0x73: {  	_ =	shalt  }
0x74: {  	_ =	shalt  }
0x75: {  	_ =	shalt  }
0x76: {  	_ =	shalt  }
0x77: {  	_ =	shalt  }
0x78: {  	_ =	shalt  }
0x79: {  	_ =	shalt  }
0x7a: {  	_ =	shalt  }
0x7b: {  	_ =	shalt  }
0x7c: {  	_ =	shalt  }
0x7d: {  	_ =	shalt  }
0x7e: {  	_ =	shalt  }
0x7f: {  	_ =	shalt  }
0x80: {  	_ =	shalt  }
0x81: {  	_ =	shalt  }
0x82: {  	_ =	shalt  }
0x83: {  	_ =	shalt  }
0x84: {  	_ =	shalt  }
0x85: {  	_ =	shalt  }
0x86: {  	_ =	shalt  }
0x87: {  	_ =	shalt  }
.Lfunc_end0:
.L_simem_size_0:
called_computation_lowered:
.L_overlay_start_0:
0x88: {  	s2 =	sld [smem:$0x3FD9]  }
0x89: {  	s3 =	sld [smem:$0x3FFE];
	_ =	sdelay $0x1  }
0x8a: {  	s1 =	srdreg.scid  }
0x8b: {  	s0 =	sand.u32 $0x1, s1  }
0x8c: {  	s14 =	sshll.u32 s0, $0xA;
	s2 =	sadd.s32 s3, s2  }
0x8d: {  	s2 =	sadd.s32 s2, s14  }
0x8e: {  	[smem:$0x3FC5] =	sst s2  }
0x8f: {  	_ = 	snop  }
0x90: {  	s2 =	sld [smem:$0x3FD0];
	_ =	sdelay $0x2  }
0x91: {  	s4 =	simm.s32 $0xA;
	s5 =	simm.s32 $0x10;
	s15 =	sld [smem:$0x3FC9]  }
0x92: {  	[smem:s5], [sflag:s4] =	dma.local [hbm:s2], $0x1  }
0x93: {  	_ =	swait.eq [sflag:s4], $0x1  }
0x94: {  	[sflag:s4] =	ssyncset.done $0x0  }
0x95: {  	[sflag:s4] =	ssyncadd.s32 $0xFFFFFFFF  }
0x96: {  	s16 =	sld [smem:$0x12];
	(tm) =	ssettm $0x1  }
0x97: {  	s17 =	sld [smem:$0x3FFB];
	_ =	sdelay $0x3  }
0x98: {  	_ =	strace s17  }
0x99: {  	s4 =	sld [smem:$0x3FFC];
	_ =	sdelay $0x3  }
0x9a: {  	_ =	strace s4  }
0x9b: {  	s4 =	sld [smem:$0x3FFD];
	_ =	sdelay $0x3  }
0x9c: {  	_ =	strace s4  }
0x9d: {  	_ =	strace $0x8FFFFFFF  }
0x9e: {  	s18 =	sld [smem:$0x3FDB];
	_ =	sdelay $0x1  }
0x9f: {  	s19 =	simm.s32 $_scs_section_size  }
0xa0: {  	s6 =	simm.s32 $_size__tile_overlayer_lowered;
	s7 =	simm.s32 $_tile_overlayer_lowered  }
0xa1: {  	s22 =	simm.s32 $0x1BFF;
	s21 =	sshll.u32 s7, $0x1;
	s4 =	sadd.s32 s19, s18  }
0xa2: {  	s8 =	simm.s32 $0x0;
	s20 =	sshll.u32 s6, $0x1;
	s6 =	sadd.s32 s21, s4  }
0xa3: {  	[timem:s8], [sflag:s22] =	dma.local [hbm:s6], s20  }
0xa4: {  	_ =	swait.ge [sflag:s22], s20  }
0xa5: {  	s5 =	ssub.s32 $0x0, s20;
	[sflag:s22] =	ssyncset.done $0x0  }
0xa6: {  	[sflag:s22] =	ssyncadd.s32 s5;
	_ =	sdelay $0x1  }
0xa7: {  	s23 =	simm.s32 $0x1B8B  }
0xa8: {  	_ =	swait.ge [sflag:s23], $0x1  }
0xa9: {  	[sflag:s23] =	ssyncset.done $0x0  }
0xaa: {  	s25 =	simm.s32 $0x1B8E;
	s24 =	sld [smem:$0x3FFE];
	[sflag:s23] =	ssyncadd.s32 $0xFFFFFFFF  }
0xab: {  	s26 =	simm.s32 $execute0_lowered;
	[smem:$0x3FD2] =	sst s25  }
0xac: {  	s6 =	sshll.u32 s26, $0x1;
	_ =	strace $0x80000046;
	[dreg:$0x1] =	wrdreg $0xFFFFFFFF  }
0xad: {  	s28 =	simm.s32 $_size_execute0_lowered;
	s4 =	sadd.s32 s4, s6;
	[dreg:$0x0] =	wrdreg $0x0  }
0xae: {  	s6 =	sshll.u32 s28, $0x1;
	[dreg:$0x2] =	wrdreg s4  }
0xaf: {  	[dreg:$0x3] =	wrdreg s6  }
0xb0: {  	[dreg:$0x4] =	wrdreg $0xC0  }
0xb1: {  	_ =	task [dreg:s8], $0x5FFFF  }
0xb2: {  	[dreg:$0x1] =	wrdreg $0xFFFFFFFF  }
0xb3: {  	[dreg:$0x0] =	wrdreg $0x60  }
0xb4: {  	[dreg:$0x2] =	wrdreg s16  }
0xb5: {  	[dreg:$0x3] =	wrdreg s15  }
0xb6: {  	[dreg:$0x4] =	wrdreg s24  }
0xb7: {  	[dreg:$0x5] =	wrdreg $0x9  }
0xb8: {  	_ =	task.clear_ibuf [dreg:s8], $0x6FFFF;
	_ =	strace $0x90000046  }
0xb9: {  	s29 =	simm.s32 $0x9;
	_ =	strace $0x80000048  }
0xba: {  	_ =	swait.ge [sflag:s29], $0x1  }
0xbb: {  	[sflag:s29] =	ssyncadd.s32 $0xFFFFFFFF  }
0xbc: {  	_ =	strace $0x90000048  }
0xbd: {  	_ =	sfence  }
0xbe: {  	s30 =	sld [smem:$0x0];
	_ =	sdelay $0x2  }
0xbf: {  	s31 =	sshll.u32 s1, $0xD;
	s1 =	sshrl.u32 s1, $0x2  }
0xc0: {  	s3 =	sand.u32 $0x4000, s31;
	s1 =	sadd.s32 s1, s30  }
0xc1: {  	s0 =	sor.u32 s3, s0;
	s1 =	sshll.u32 s1, $0x11  }
0xc2: {  	s0 =	sor.u32 s1, s0  }
0xc3: {  	s0 =	sadd.s32 $0x8F2B, s0  }
0xc4: {  	[sflag:s0] =	ssyncadd.remote.s32 $0x1  }
0xc5: {  	_ =	sfence.sel $0xFFFF  }
0xc6: {  	[dreg:$0x0] =	wrdreg $0xFFFFFFFF;
	(pc) =	sbr.abs _section_cstart, $3  }
0xc7: {  	[dreg:$0x1] =	wrdreg $0xFFFFFFFF  }
0xc8: {  	_ =	task.clear_ibuf [dreg:s8], $0x2FFFF;
	_ =	strace $0x9FFFFFFF  }
0xc9: {  	(tm) =	ssettm $0x7FFFFFFF  }
tec
execute0_lowered:
.L_overlay_start_1:
0x0: {  	(tag) =	ssettag $0x1  }
0x1: {  	s1 =	rddreg [dreg:$0x0];
	s3 =	srdreg.scid  }
0x2: {  	s0 =	stileid.u32;
	s2 =	rddreg [dreg:$0x1];
	s12 =	simm.s32 $0x80  }
0x3: {  	s17 =	simm.s32 $0x2880;
	s18 =	simm.s32 $0x3080;
	s19 =	simm.s32 $0x3880  }
0x4: {  	s20 =	simm.s32 $0x4080;
	s21 =	simm.s32 $0x4880;
	s22 =	simm.s32 $0x2  }
0x5: {  	s23 =	simm.s32 $0x3;
	s24 =	simm.s32 $0x1;
	s25 =	simm.s32 $0x5080  }
0x6: {  	s26 =	simm.s32 $0x7880;
	s5 =	sand.u32 $0x1, s3;
	s4 =	sshll.u32 s0, $0x1  }
0x7: {  	s28 =	simm.s32 $0x0;
	s3 =	rddreg [dreg:$0x2];
	s6 =	sor.u32 s5, s4  }
0x8: {  	s4 =	simm.s32 $0x0;
	s9 =	ssub.s32 $0x2, s5;
	s7 =	smul.u32 $0xA00, s6  }
0x9: {  	s5 =	sadd.s32 $0x271000, s3;
	[smem:$0x7FF] =	sst s4;
	s8 =	smul.u32 $0x500, s6  }
0xa: {  	s6 =	smul.u32 $0xA, s6;
	s10 =	sshrl.u32 s9, $0x1;
	_ =	strace $0x80000047  }
0xb: {  	v2 =	vlaneseq.u32;
	s10 =	ssub.s32 s9, s10;
	s7 =	sadd.s32 s7, s3;
	s11 =	sadd.s32 s8, s3  }
0xc: {  	vm0 =	vmmov $0xffff;
	v1 =	vshrl.u32 v2, $0x3;
	s6 =	sadd.s32 s1, s6;
	s10 =	smax.u32 s10, $0x1;
	s7 =	sadd.s32 $0x4E2000, s7  }
0xd: {  	v0 =	vand.u32 $0x7, v2;
	v2 =	vor.u32 $0x8, v2;
	v1 =	vmul.u32 $0x8, v1;
	s8 =	sadd.s32 $0x4F6000, s11;
	s9 =	sadd.s32 $0x500000, s11;
	s11 =	simm.s32 $0x4  }
.LBB2_1:
0xe: {  	[tilespmem:s4], [sflag:$0x4] =	stream.linear.gather [hbm4b:s6+s4], $0x50, $0x38;
	[tilespmem:$0xA080] =	vst v63  }
0xf: {  	_ =	swait.ge [sflag:s11], $0x50  }
0x10: {  	[sflag:s11] =	ssyncset.done $0x0  }
0x11: {  	[sflag:s11] =	ssyncadd.s32 $0xFFFFFFB0  }
0x12: {  	v3 =	vld [tilespmem:$0x0];
	_ =	sdelay $0x4  }
0x13: {  	v4 =	vshll.u32 v3, $0x1  }
0x14: {  	v3 =	vand.u32 $0x7, v3;
	v4 =	vand.u32 $0xFFFFFFF0, v4  }
0x15: {  	v3 =	vor.u32 v3, v4  }
0x16: {  	v4 =	vperm.xlane v3, v0;
	_ =	sdelay $0x1  }
0x17: {  	v3 =	vperm.xlane v3, v2;
	v4 =	vadd.s32 v1, v4;
	_ =	sdelay $0x1  }
0x18: {  	v3 =	vadd.s32 v1, v3;
	_ =	sdelay $0x2  }
0x19: {  	[tilespmem:s12], [sflag:$0x1] =	stream.indirect_vreg.gather [hbm4b:s2+s4], $0x80, v4, vm0, $0xb8;
	[tilespmem:$0xA080] =	vst v63  }
0x1a: {  	s0 =	simm.s32 $0x880  }
0x1b: {  	[tilespmem:s0], [sflag:$0x1] =	stream.indirect_vreg.gather [hbm4b:s2+s4], $0x80, v3, vm0, $0xb8;
	[tilespmem:$0xA080] =	vst v63  }
0x1c: {  	v3 =	vld [tilespmem:$0x10];
	_ =	sdelay $0x4  }
0x1d: {  	v60 =	vshll.u32 v3, $0x1  }
0x1e: {  	v3 =	vand.u32 $0x7, v3;
	v4 =	vand.u32 $0xFFFFFFF0, v60  }
0x1f: {  	v3 =	vor.u32 v3, v4  }
0x20: {  	v4 =	vperm.xlane v3, v0;
	_ =	sdelay $0x1  }
0x21: {  	v3 =	vperm.xlane v3, v2;
	v4 =	vadd.s32 v1, v4;
	_ =	sdelay $0x1  }
0x22: {  	v3 =	vadd.s32 v1, v3;
	_ =	sdelay $0x1  }
0x23: {  	s16 =	simm.s32 $0x1080  }
0x24: {  	[tilespmem:s16], [sflag:$0x1] =	stream.indirect_vreg.gather [hbm4b:s2+s4], $0x80, v4, vm0, $0xb8;
	[tilespmem:$0xA080] =	vst v63  }
0x25: {  	s1 =	simm.s32 $0x1880  }
0x26: {  	[tilespmem:s1], [sflag:$0x1] =	stream.indirect_vreg.gather [hbm4b:s2+s4], $0x80, v3, vm0, $0xb8;
	[tilespmem:$0xA080] =	vst v63  }
0x27: {  	v3 =	vld [tilespmem:$0x20];
	_ =	sdelay $0x4  }
0x28: {  	v61 =	vshll.u32 v3, $0x1  }
0x29: {  	v3 =	vand.u32 $0x7, v3;
	v4 =	vand.u32 $0xFFFFFFF0, v61  }
0x2a: {  	v3 =	vor.u32 v3, v4  }
0x2b: {  	v4 =	vperm.xlane v3, v0;
	_ =	sdelay $0x1  }
0x2c: {  	v3 =	vperm.xlane v3, v2;
	v4 =	vadd.s32 v1, v4;
	_ =	sdelay $0x1  }
0x2d: {  	v3 =	vadd.s32 v1, v3;
	_ =	sdelay $0x1  }
0x2e: {  	s13 =	simm.s32 $0x2080  }
0x2f: {  	[tilespmem:s13], [sflag:$0x1] =	stream.indirect_vreg.gather [hbm4b:s2+s4], $0x80, v4, vm0, $0xb8;
	[tilespmem:$0xA080] =	vst v63  }
0x30: {  	_ = 	snop  }
0x31: {  	[tilespmem:s17], [sflag:$0x1] =	stream.indirect_vreg.gather [hbm4b:s2+s4], $0x80, v3, vm0, $0xb8;
	[tilespmem:$0xA080] =	vst v63  }
0x32: {  	v3 =	vld [tilespmem:$0x30];
	_ =	sdelay $0x4  }
0x33: {  	v62 =	vshll.u32 v3, $0x1  }
0x34: {  	v3 =	vand.u32 $0x7, v3;
	v4 =	vand.u32 $0xFFFFFFF0, v62  }
0x35: {  	v3 =	vor.u32 v3, v4  }
0x36: {  	v4 =	vperm.xlane v3, v0;
	_ =	sdelay $0x1  }
0x37: {  	v3 =	vperm.xlane v3, v2;
	v4 =	vadd.s32 v1, v4;
	_ =	sdelay $0x1  }
0x38: {  	v3 =	vadd.s32 v1, v3;
	_ =	sdelay $0x2  }
0x39: {  	[tilespmem:s18], [sflag:$0x1] =	stream.indirect_vreg.gather [hbm4b:s2+s4], $0x80, v4, vm0, $0xb8;
	[tilespmem:$0xA080] =	vst v63  }
0x3a: {  	_ = 	snop  }
0x3b: {  	[tilespmem:s19], [sflag:$0x1] =	stream.indirect_vreg.gather [hbm4b:s2+s4], $0x80, v3, vm0, $0xb8;
	[tilespmem:$0xA080] =	vst v63  }
0x3c: {  	v3 =	vld [tilespmem:$0x40];
	_ =	sdelay $0x4  }
0x3d: {  	v63 =	vshll.u32 v3, $0x1  }
0x3e: {  	v3 =	vand.u32 $0x7, v3;
	v4 =	vand.u32 $0xFFFFFFF0, v63  }
0x3f: {  	v3 =	vor.u32 v3, v4  }
0x40: {  	v4 =	vperm.xlane v3, v0;
	_ =	sdelay $0x1  }
0x41: {  	v3 =	vperm.xlane v3, v2;
	v4 =	vadd.s32 v1, v4;
	_ =	sdelay $0x1  }
0x42: {  	v3 =	vadd.s32 v1, v3;
	_ =	sdelay $0x2  }
0x43: {  	[tilespmem:s20], [sflag:$0x1] =	stream.indirect_vreg.gather [hbm4b:s2+s4], $0x80, v4, vm0, $0xb8;
	[tilespmem:$0xA080] =	vst v63  }
0x44: {  	_ = 	snop  }
0x45: {  	[tilespmem:s21], [sflag:$0x1] =	stream.indirect_vreg.gather [hbm4b:s2+s4], $0x80, v3, vm0, $0xb8;
	[tilespmem:$0xA080] =	vst v63  }
0x46: {  	v3 =	vld [tilespmem:s4+$0x0];
	_ =	sdelay $0x4  }
0x47: {  	v3 =	vshll.u32 v3, $0x4  }
0x48: {  	(v2sf) =	vpush v3, $0x0;
	_ =	sdelay $0x1  }
0x49: {  	(v2sf) =	vpush v3, $0x1;
	_ =	sdelay $0x3  }
0x4a: {  	(v2sf) =	vpush v3, $0x2;
	_ =	sdelay $0x3  }
0x4b: {  	(v2sf) =	vpush v3, $0x3;
	_ =	sdelay $0x3  }
0x4c: {  	(v2sf) =	vpush v3, $0x4  }
0x4d: {  	s1 =	spop (v2sf)  }
0x4e: {  	s1 =	sand.u32 $0x1FFFFFF0, s1  }
0x4f: {  	s31 =	simm.s32 $0x5080;
	s29 =	spop (v2sf);
	s30 =	sadd.s32 s3, s1  }
0x50: {  	(v2sf) =	vpush v3, $0x5;
	[tilespmem:s31], [sflag:$0x2] =	stream.linear.gather [hbm4b:s30+s4], $0x80, $0x38;
	[tilespmem:$0xA080] =	vst v63  }
0x51: {  	s29 =	sand.u32 $0x1FFFFFF0, s29;
	s1 =	sadd.s32 s5, s1;
	s30 =	simm.s32 $0x7880  }
0x52: {  	[tilespmem:s30], [sflag:$0x3] =	stream.linear.gather [hbm4b:s1+s4], $0x80, $0x38;
	[tilespmem:$0xA080] =	vst v63  }
0x53: {  	s14 =	spop (v2sf);
	s31 =	sadd.s32 s3, s29;
	s30 =	simm.s32 $0x5100  }
0x54: {  	(v2sf) =	vpush v3, $0x6;
	[tilespmem:s30], [sflag:$0x2] =	stream.linear.gather [hbm4b:s31+s4], $0x80, $0x38;
	[tilespmem:$0xA080] =	vst v63  }
0x55: {  	s29 =	sadd.s32 s5, s29;
	s1 =	sand.u32 $0x1FFFFFF0, s14;
	s30 =	simm.s32 $0x7900  }
0x56: {  	[tilespmem:s30], [sflag:$0x3] =	stream.linear.gather [hbm4b:s29+s4], $0x80, $0x38;
	[tilespmem:$0xA080] =	vst v63  }
0x57: {  	s31 =	sadd.s32 s3, s1;
	s29 =	spop (v2sf);
	s30 =	simm.s32 $0x5180  }
0x58: {  	(v2sf) =	vpush v3, $0x7;
	[tilespmem:s30], [sflag:$0x2] =	stream.linear.gather [hbm4b:s31+s4], $0x80, $0x38;
	[tilespmem:$0xA080] =	vst v63  }
0x59: {  	s1 =	sadd.s32 s5, s1;
	s29 =	sand.u32 $0x1FFFFFF0, s29;
	s30 =	simm.s32 $0x7980  }
0x5a: {  	[tilespmem:s30], [sflag:$0x3] =	stream.linear.gather [hbm4b:s1+s4], $0x80, $0x38;
	[tilespmem:$0xA080] =	vst v63  }
0x5b: {  	s15 =	spop (v2sf);
	s31 =	sadd.s32 s3, s29;
	s30 =	simm.s32 $0x5200  }
0x5c: {  	(v2sf) =	vpush v3, $0x8;
	[tilespmem:s30], [sflag:$0x2] =	stream.linear.gather [hbm4b:s31+s4], $0x80, $0x38;
	[tilespmem:$0xA080] =	vst v63  }
0x5d: {  	s29 =	sadd.s32 s5, s29;
	s1 =	sand.u32 $0x1FFFFFF0, s15;
	s30 =	simm.s32 $0x7A00  }
0x5e: {  	[tilespmem:s30], [sflag:$0x3] =	stream.linear.gather [hbm4b:s29+s4], $0x80, $0x38;
	[tilespmem:$0xA080] =	vst v63  }
0x5f: {  	s31 =	sadd.s32 s3, s1;
	s29 =	spop (v2sf);
	s30 =	simm.s32 $0x5280  }
0x60: {  	(v2sf) =	vpush v3, $0x9;
	[tilespmem:s30], [sflag:$0x2] =	stream.linear.gather [hbm4b:s31+s4], $0x80, $0x38;
	[tilespmem:$0xA080] =	vst v63  }
0x61: {  	s1 =	sadd.s32 s5, s1;
	s29 =	sand.u32 $0x1FFFFFF0, s29;
	s30 =	simm.s32 $0x7A80  }
0x62: {  	[tilespmem:s30], [sflag:$0x3] =	stream.linear.gather [hbm4b:s1+s4], $0x80, $0x38;
	[tilespmem:$0xA080] =	vst v63  }
0x63: {  	s16 =	spop (v2sf);
	s31 =	sadd.s32 s3, s29;
	s30 =	simm.s32 $0x5300  }
0x64: {  	(v2sf) =	vpush v3, $0xA;
	[tilespmem:s30], [sflag:$0x2] =	stream.linear.gather [hbm4b:s31+s4], $0x80, $0x38;
	[tilespmem:$0xA080] =	vst v63  }
0x65: {  	s29 =	sadd.s32 s5, s29;
	s1 =	sand.u32 $0x1FFFFFF0, s16;
	s30 =	simm.s32 $0x7B00  }
0x66: {  	[tilespmem:s30], [sflag:$0x3] =	stream.linear.gather [hbm4b:s29+s4], $0x80, $0x38;
	[tilespmem:$0xA080] =	vst v63  }
0x67: {  	s31 =	sadd.s32 s3, s1;
	s29 =	spop (v2sf);
	s30 =	simm.s32 $0x5380  }
0x68: {  	(v2sf) =	vpush v3, $0xB;
	[tilespmem:s30], [sflag:$0x2] =	stream.linear.gather [hbm4b:s31+s4], $0x80, $0x38;
	[tilespmem:$0xA080] =	vst v63  }
0x69: {  	s1 =	sadd.s32 s5, s1;
	s29 =	sand.u32 $0x1FFFFFF0, s29;
	s30 =	simm.s32 $0x7B80  }
0x6a: {  	[tilespmem:s30], [sflag:$0x3] =	stream.linear.gather [hbm4b:s1+s4], $0x80, $0x38;
	[tilespmem:$0xA080] =	vst v63  }
0x6b: {  	s0 =	spop (v2sf);
	s31 =	sadd.s32 s3, s29;
	s30 =	simm.s32 $0x5400  }
0x6c: {  	(v2sf) =	vpush v3, $0xC;
	[tilespmem:s30], [sflag:$0x2] =	stream.linear.gather [hbm4b:s31+s4], $0x80, $0x38;
	[tilespmem:$0xA080] =	vst v63  }
0x6d: {  	s29 =	sadd.s32 s5, s29;
	s1 =	sand.u32 $0x1FFFFFF0, s0;
	s30 =	simm.s32 $0x7C00  }
0x6e: {  	[tilespmem:s30], [sflag:$0x3] =	stream.linear.gather [hbm4b:s29+s4], $0x80, $0x38;
	[tilespmem:$0xA080] =	vst v63  }
0x6f: {  	s31 =	sadd.s32 s3, s1;
	s29 =	spop (v2sf);
	s30 =	simm.s32 $0x5480  }
0x70: {  	(v2sf) =	vpush v3, $0xD;
	[tilespmem:s30], [sflag:$0x2] =	stream.linear.gather [hbm4b:s31+s4], $0x80, $0x38;
	[tilespmem:$0xA080] =	vst v63  }
0x71: {  	s1 =	sadd.s32 s5, s1;
	s29 =	sand.u32 $0x1FFFFFF0, s29;
	s30 =	simm.s32 $0x7C80  }
0x72: {  	[tilespmem:s30], [sflag:$0x3] =	stream.linear.gather [hbm4b:s1+s4], $0x80, $0x38;
	[tilespmem:$0xA080] =	vst v63  }
0x73: {  	s13 =	spop (v2sf);
	s31 =	sadd.s32 s3, s29;
	s30 =	simm.s32 $0x5500  }
0x74: {  	(v2sf) =	vpush v3, $0xE;
	[tilespmem:s30], [sflag:$0x2] =	stream.linear.gather [hbm4b:s31+s4], $0x80, $0x38;
	[tilespmem:$0xA080] =	vst v63  }
0x75: {  	s29 =	sadd.s32 s5, s29;
	s1 =	sand.u32 $0x1FFFFFF0, s13;
	s30 =	simm.s32 $0x7D00  }
0x76: {  	[tilespmem:s30], [sflag:$0x3] =	stream.linear.gather [hbm4b:s29+s4], $0x80, $0x38;
	[tilespmem:$0xA080] =	vst v63  }
0x77: {  	s31 =	sadd.s32 s3, s1;
	s29 =	spop (v2sf);
	s30 =	simm.s32 $0x5580  }
0x78: {  	(v2sf) =	vpush v3, $0xF;
	[tilespmem:s30], [sflag:$0x2] =	stream.linear.gather [hbm4b:s31+s4], $0x80, $0x38;
	[tilespmem:$0xA080] =	vst v63  }
0x79: {  	s1 =	sadd.s32 s5, s1;
	s29 =	sand.u32 $0x1FFFFFF0, s29;
	s30 =	simm.s32 $0x7D80  }
0x7a: {  	[tilespmem:s30], [sflag:$0x3] =	stream.linear.gather [hbm4b:s1+s4], $0x80, $0x38;
	[tilespmem:$0xA080] =	vst v63  }
0x7b: {  	s14 =	spop (v2sf);
	s31 =	sadd.s32 s3, s29;
	s30 =	simm.s32 $0x5600  }
0x7c: {  	[tilespmem:s30], [sflag:$0x2] =	stream.linear.gather [hbm4b:s31+s4], $0x80, $0x38;
	[tilespmem:$0xA080] =	vst v63  }
0x7d: {  	s29 =	sadd.s32 s5, s29;
	s1 =	sand.u32 $0x1FFFFFF0, s14;
	s30 =	simm.s32 $0x7E00  }
0x7e: {  	[tilespmem:s30], [sflag:$0x3] =	stream.linear.gather [hbm4b:s29+s4], $0x80, $0x38;
	[tilespmem:$0xA080] =	vst v63  }
0x7f: {  	s31 =	sadd.s32 s3, s1;
	s29 =	spop (v2sf);
	s30 =	simm.s32 $0x5680  }
0x80: {  	[tilespmem:s30], [sflag:$0x2] =	stream.linear.gather [hbm4b:s31+s4], $0x80, $0x38;
	[tilespmem:$0xA080] =	vst v63  }
0x81: {  	s1 =	sadd.s32 s5, s1;
	s29 =	sand.u32 $0x1FFFFFF0, s29;
	s30 =	simm.s32 $0x7E80  }
0x82: {  	[tilespmem:s30], [sflag:$0x3] =	stream.linear.gather [hbm4b:s1+s4], $0x80, $0x38;
	[tilespmem:$0xA080] =	vst v63  }
0x83: {  	s15 =	spop (v2sf);
	s31 =	sadd.s32 s3, s29;
	s30 =	simm.s32 $0x5700  }
0x84: {  	[tilespmem:s30], [sflag:$0x2] =	stream.linear.gather [hbm4b:s31+s4], $0x80, $0x38;
	[tilespmem:$0xA080] =	vst v63  }
0x85: {  	s29 =	sadd.s32 s5, s29;
	s1 =	sand.u32 $0x1FFFFFF0, s15;
	s30 =	simm.s32 $0x7F00  }
0x86: {  	[tilespmem:s30], [sflag:$0x3] =	stream.linear.gather [hbm4b:s29+s4], $0x80, $0x38;
	[tilespmem:$0xA080] =	vst v63  }
0x87: {  	s31 =	sadd.s32 s3, s1;
	s29 =	spop (v2sf);
	s30 =	simm.s32 $0x5780  }
0x88: {  	[tilespmem:s30], [sflag:$0x2] =	stream.linear.gather [hbm4b:s31+s4], $0x80, $0x38;
	[tilespmem:$0xA080] =	vst v63  }
0x89: {  	s1 =	sadd.s32 s5, s1;
	s30 =	sand.u32 $0x1FFFFFF0, s29;
	s29 =	simm.s32 $0x7F80  }
0x8a: {  	[tilespmem:s29], [sflag:$0x3] =	stream.linear.gather [hbm4b:s1+s4], $0x80, $0x38;
	[tilespmem:$0xA080] =	vst v63  }
0x8b: {  	s16 =	simm.s32 $0x5800;
	s31 =	simm.s32 $0x8000;
	s29 =	sadd.s32 s3, s30  }
0x8c: {  	[tilespmem:s16], [sflag:$0x2] =	stream.linear.gather [hbm4b:s29+s4], $0x80, $0x38;
	[tilespmem:$0xA080] =	vst v63  }
0x8d: {  	s1 =	sadd.s32 s5, s30;
	s30 =	simm.s32 $0x0;
	s29 =	simm.s32 $0x2000  }
.LBB2_2:
0x8e: {  	p0 =	sne.s32 s29, $0x8000  }
0x8f: {  	s30 =	sadd.s32 $0x10, s30;
	s0 =	smov.u32 s29;
	s29 =	sadd.s32 $0x2000, s29  }
0x90: {  	[tilespmem:s31], [sflag:$0x3] =	stream.linear.gather [hbm4b:s1+s4], $0x80, $0x38;
	[tilespmem:$0xA080] =	vst v63  }
0x91: {  	v3 =	vld [tilespmem:s30+$0x0];
	_ =	sdelay $0x4  }
0x92: {  	v3 =	vshll.u32 v3, $0x4  }
0x93: {  	(v2sf) =	vpush v3, $0x0  }
0x94: {  	(v2sf) =	vpush v3, $0x1  }
0x95: {  	(v2sf) =	vpush v3, $0x2;
	_ =	sdelay $0x2  }
0x96: {  	(v2sf) =	vpush v3, $0x3;
	_ =	sdelay $0x3  }
0x97: {  	(v2sf) =	vpush v3, $0x4;
	_ =	sdelay $0x3  }
0x98: {  	(v2sf) =	vpush v3, $0x5;
	_ =	sdelay $0x1  }
0x99: {  	s1 =	spop (v2sf)  }
0x9a: {  	s31 =	sshra.s32 s0, $0x2;
	s0 =	sand.u32 $0x1FFFFFF0, s1;
	s1 =	spop (v2sf)  }
0x9b: {  	s14 =	sadd.s32 $0x7880, s31;
	s13 =	sadd.s32 s3, s0;
	s15 =	spop (v2sf);
	(v2sf) =	vpush v3, $0x6  }
0x9c: {  	s16 =	sadd.s32 $0x5080, s31;
	s1 =	sand.u32 $0x1FFFFFF0, s1;
	s15 =	sand.u32 $0x1FFFFFF0, s15  }
0x9d: {  	[tilespmem:s16], [sflag:$0x2] =	stream.linear.gather [hbm4b:s13+s4], $0x80, $0x38;
	[tilespmem:$0xA080] =	vst v63  }
0x9e: {  	s0 =	sadd.s32 s5, s0;
	s13 =	sadd.s32 $0x5100, s31;
	s16 =	spop (v2sf)  }
0x9f: {  	[tilespmem:s14], [sflag:$0x3] =	stream.linear.gather [hbm4b:s0+s4], $0x80, $0x38;
	(v2sf) =	vpush v3, $0x7;
	[tilespmem:$0xA080] =	vst v63  }
0xa0: {  	s0 =	sadd.s32 s3, s1;
	s14 =	sadd.s32 $0x7900, s31;
	s16 =	sand.u32 $0x1FFFFFF0, s16  }
0xa1: {  	[tilespmem:s13], [sflag:$0x2] =	stream.linear.gather [hbm4b:s0+s4], $0x80, $0x38;
	[tilespmem:$0xA080] =	vst v63  }
0xa2: {  	s0 =	sadd.s32 s5, s1;
	s1 =	sadd.s32 $0x5180, s31;
	s13 =	spop (v2sf)  }
0xa3: {  	[tilespmem:s14], [sflag:$0x3] =	stream.linear.gather [hbm4b:s0+s4], $0x80, $0x38;
	[tilespmem:$0xA080] =	vst v63  }
0xa4: {  	s0 =	sadd.s32 s3, s15;
	s14 =	sadd.s32 $0x7980, s31;
	s13 =	sand.u32 $0x1FFFFFF0, s13  }
0xa5: {  	[tilespmem:s1], [sflag:$0x2] =	stream.linear.gather [hbm4b:s0+s4], $0x80, $0x38;
	(v2sf) =	vpush v3, $0x8;
	[tilespmem:$0xA080] =	vst v63  }
0xa6: {  	s0 =	sadd.s32 s5, s15;
	s1 =	sadd.s32 $0x5200, s31;
	s15 =	spop (v2sf)  }
0xa7: {  	[tilespmem:s14], [sflag:$0x3] =	stream.linear.gather [hbm4b:s0+s4], $0x80, $0x38;
	[tilespmem:$0xA080] =	vst v63  }
0xa8: {  	s0 =	sadd.s32 s3, s16;
	s14 =	sadd.s32 $0x7A00, s31;
	s15 =	sand.u32 $0x1FFFFFF0, s15  }
0xa9: {  	[tilespmem:s1], [sflag:$0x2] =	stream.linear.gather [hbm4b:s0+s4], $0x80, $0x38;
	(v2sf) =	vpush v3, $0x9;
	[tilespmem:$0xA080] =	vst v63  }
0xaa: {  	s0 =	sadd.s32 s5, s16;
	s1 =	sadd.s32 $0x5280, s31;
	s16 =	spop (v2sf)  }
0xab: {  	[tilespmem:s14], [sflag:$0x3] =	stream.linear.gather [hbm4b:s0+s4], $0x80, $0x38;
	[tilespmem:$0xA080] =	vst v63  }
0xac: {  	s0 =	sadd.s32 s3, s13;
	s14 =	sadd.s32 $0x7A80, s31;
	s16 =	sand.u32 $0x1FFFFFF0, s16  }
0xad: {  	[tilespmem:s1], [sflag:$0x2] =	stream.linear.gather [hbm4b:s0+s4], $0x80, $0x38;
	(v2sf) =	vpush v3, $0xA;
	[tilespmem:$0xA080] =	vst v63  }
0xae: {  	s0 =	sadd.s32 s5, s13;
	s1 =	sadd.s32 $0x5300, s31;
	s13 =	spop (v2sf)  }
0xaf: {  	[tilespmem:s14], [sflag:$0x3] =	stream.linear.gather [hbm4b:s0+s4], $0x80, $0x38;
	[tilespmem:$0xA080] =	vst v63  }
0xb0: {  	s0 =	sadd.s32 s3, s15;
	s14 =	sadd.s32 $0x7B00, s31;
	s13 =	sand.u32 $0x1FFFFFF0, s13  }
0xb1: {  	[tilespmem:s1], [sflag:$0x2] =	stream.linear.gather [hbm4b:s0+s4], $0x80, $0x38;
	(v2sf) =	vpush v3, $0xB;
	[tilespmem:$0xA080] =	vst v63  }
0xb2: {  	s0 =	sadd.s32 s5, s15;
	s1 =	sadd.s32 $0x5380, s31;
	s15 =	sadd.s32 s3, s16  }
0xb3: {  	[tilespmem:s14], [sflag:$0x3] =	stream.linear.gather [hbm4b:s0+s4], $0x80, $0x38;
	[tilespmem:$0xA080] =	vst v63  }
0xb4: {  	s0 =	sadd.s32 $0x7B80, s31;
	s14 =	sadd.s32 s5, s16;
	s16 =	spop (v2sf)  }
0xb5: {  	[tilespmem:s1], [sflag:$0x2] =	stream.linear.gather [hbm4b:s15+s4], $0x80, $0x38;
	(v2sf) =	vpush v3, $0xC;
	[tilespmem:$0xA080] =	vst v63  }
0xb6: {  	s1 =	sadd.s32 $0x5400, s31;
	s15 =	sadd.s32 s3, s13;
	s16 =	sand.u32 $0x1FFFFFF0, s16  }
0xb7: {  	[tilespmem:s0], [sflag:$0x3] =	stream.linear.gather [hbm4b:s14+s4], $0x80, $0x38;
	[tilespmem:$0xA080] =	vst v63  }
0xb8: {  	s13 =	sadd.s32 s5, s13;
	s0 =	sadd.s32 $0x7C00, s31;
	s14 =	spop (v2sf)  }
0xb9: {  	[tilespmem:s1], [sflag:$0x2] =	stream.linear.gather [hbm4b:s15+s4], $0x80, $0x38;
	(v2sf) =	vpush v3, $0xD;
	[tilespmem:$0xA080] =	vst v63  }
0xba: {  	s1 =	sadd.s32 $0x5480, s31;
	s15 =	sadd.s32 s3, s16;
	s14 =	sand.u32 $0x1FFFFFF0, s14  }
0xbb: {  	[tilespmem:s0], [sflag:$0x3] =	stream.linear.gather [hbm4b:s13+s4], $0x80, $0x38;
	[tilespmem:$0xA080] =	vst v63  }
0xbc: {  	s0 =	sadd.s32 $0x7C80, s31;
	s13 =	sadd.s32 s5, s16;
	s16 =	spop (v2sf)  }
0xbd: {  	[tilespmem:s1], [sflag:$0x2] =	stream.linear.gather [hbm4b:s15+s4], $0x80, $0x38;
	(v2sf) =	vpush v3, $0xE;
	[tilespmem:$0xA080] =	vst v63  }
0xbe: {  	s1 =	sadd.s32 $0x5500, s31;
	s15 =	sadd.s32 s3, s14;
	s16 =	sand.u32 $0x1FFFFFF0, s16  }
0xbf: {  	[tilespmem:s0], [sflag:$0x3] =	stream.linear.gather [hbm4b:s13+s4], $0x80, $0x38;
	[tilespmem:$0xA080] =	vst v63  }
0xc0: {  	s0 =	sadd.s32 $0x7D00, s31;
	s13 =	sadd.s32 s5, s14;
	s14 =	spop (v2sf)  }
0xc1: {  	[tilespmem:s1], [sflag:$0x2] =	stream.linear.gather [hbm4b:s15+s4], $0x80, $0x38;
	(v2sf) =	vpush v3, $0xF;
	[tilespmem:$0xA080] =	vst v63  }
0xc2: {  	s1 =	sadd.s32 $0x5580, s31;
	s15 =	sadd.s32 s3, s16;
	s14 =	sand.u32 $0x1FFFFFF0, s14  }
0xc3: {  	[tilespmem:s0], [sflag:$0x3] =	stream.linear.gather [hbm4b:s13+s4], $0x80, $0x38;
	[tilespmem:$0xA080] =	vst v63  }
0xc4: {  	s0 =	sadd.s32 $0x7D80, s31;
	s13 =	sadd.s32 s5, s16;
	s16 =	spop (v2sf)  }
0xc5: {  	[tilespmem:s1], [sflag:$0x2] =	stream.linear.gather [hbm4b:s15+s4], $0x80, $0x38;
	[tilespmem:$0xA080] =	vst v63  }
0xc6: {  	s1 =	sadd.s32 $0x5600, s31;
	s15 =	sadd.s32 s3, s14;
	s16 =	sand.u32 $0x1FFFFFF0, s16  }
0xc7: {  	[tilespmem:s0], [sflag:$0x3] =	stream.linear.gather [hbm4b:s13+s4], $0x80, $0x38;
	[tilespmem:$0xA080] =	vst v63  }
0xc8: {  	s0 =	sadd.s32 $0x7E00, s31;
	s13 =	sadd.s32 s5, s14;
	s14 =	spop (v2sf)  }
0xc9: {  	[tilespmem:s1], [sflag:$0x2] =	stream.linear.gather [hbm4b:s15+s4], $0x80, $0x38;
	[tilespmem:$0xA080] =	vst v63  }
0xca: {  	s1 =	sadd.s32 $0x5680, s31;
	s15 =	sadd.s32 s3, s16;
	s14 =	sand.u32 $0x1FFFFFF0, s14  }
0xcb: {  	[tilespmem:s0], [sflag:$0x3] =	stream.linear.gather [hbm4b:s13+s4], $0x80, $0x38;
	[tilespmem:$0xA080] =	vst v63  }
0xcc: {  	s0 =	sadd.s32 $0x7E80, s31;
	s13 =	sadd.s32 s5, s16;
	s16 =	spop (v2sf)  }
0xcd: {  	[tilespmem:s1], [sflag:$0x2] =	stream.linear.gather [hbm4b:s15+s4], $0x80, $0x38;
	[tilespmem:$0xA080] =	vst v63  }
0xce: {  	s1 =	sadd.s32 $0x5700, s31;
	s15 =	sadd.s32 s3, s14;
	s16 =	sand.u32 $0x1FFFFFF0, s16  }
0xcf: {  	[tilespmem:s0], [sflag:$0x3] =	stream.linear.gather [hbm4b:s13+s4], $0x80, $0x38;
	[tilespmem:$0xA080] =	vst v63  }
0xd0: {  	s0 =	sadd.s32 $0x7F00, s31;
	s13 =	sadd.s32 s5, s14;
	s14 =	spop (v2sf)  }
0xd1: {  	[tilespmem:s1], [sflag:$0x2] =	stream.linear.gather [hbm4b:s15+s4], $0x80, $0x38;
	[tilespmem:$0xA080] =	vst v63  }
0xd2: {  	s1 =	sadd.s32 $0x5780, s31;
	s15 =	sadd.s32 s3, s16;
	s14 =	sand.u32 $0x1FFFFFF0, s14  }
0xd3: {  	[tilespmem:s0], [sflag:$0x3] =	stream.linear.gather [hbm4b:s13+s4], $0x80, $0x38;
	[tilespmem:$0xA080] =	vst v63  }
0xd4: {  	s0 =	sadd.s32 $0x7F80, s31;
	s13 =	sadd.s32 s5, s16  }
0xd5: {  	[tilespmem:s1], [sflag:$0x2] =	stream.linear.gather [hbm4b:s15+s4], $0x80, $0x38;
	[tilespmem:$0xA080] =	vst v63  }
.Ltmp0:
0xd6: {  	_ = 	snop;
	(pc) =	sbr.rel @p0 .LBB2_2-.Ltmp0, $4  }
0xd7: {  	s16 =	sadd.s32 s3, s14;
	s15 =	sadd.s32 $0x5800, s31  }
0xd8: {  	[tilespmem:s0], [sflag:$0x3] =	stream.linear.gather [hbm4b:s13+s4], $0x80, $0x38;
	[tilespmem:$0xA080] =	vst v63  }
0xd9: {  	s31 =	sadd.s32 $0x8000, s31;
	s1 =	sadd.s32 s5, s14  }
0xda: {  	[tilespmem:s15], [sflag:$0x2] =	stream.linear.gather [hbm4b:s16+s4], $0x80, $0x38;
	[tilespmem:$0xA080] =	vst v63  }
0xdb: {  	[tilespmem:s31], [sflag:$0x3] =	stream.linear.gather [hbm4b:s1+s4], $0x80, $0x38;
	[tilespmem:$0xA080] =	vst v63  }
0xdc: {  	_ =	swait.ge [sflag:s22], $0x80  }
0xdd: {  	[sflag:s22] =	ssyncset.done $0x0  }
0xde: {  	[sflag:s22] =	ssyncadd.s32 $0xFFFFFF80  }
0xdf: {  	_ =	swait.ge [sflag:s23], $0x80  }
0xe0: {  	s29 =	simm.s32 $0x4F;
	[sflag:s23] =	ssyncset.done $0x0  }
.LBB2_4:
0xe1: {  	p0 =	sne.s32 s29, $0x1;
	s29 =	sadd.s32 $0xFFFFFFFF, s29;
	[sflag:s23] =	ssyncadd.s32 $0xFFFFFF80  }
.Ltmp1:
0xe2: {  	_ =	swait.ge [sflag:s22], $0x80;
	(pc) =	sbr.rel @p0 .LBB2_4-.Ltmp1, $4  }
0xe3: {  	[sflag:s22] =	ssyncset.done $0x0  }
0xe4: {  	[sflag:s22] =	ssyncadd.s32 $0xFFFFFF80  }
0xe5: {  	_ =	swait.ge [sflag:s23], $0x80  }
0xe6: {  	[sflag:s23] =	ssyncset.done $0x0  }
0xe7: {  	[sflag:s23] =	ssyncadd.s32 $0xFFFFFF80  }
0xe8: {  	_ =	swait.ge [sflag:s24], $0x5000  }
0xe9: {  	[sflag:s24] =	ssyncset.done $0x0  }
0xea: {  	[sflag:s24] =	ssyncadd.s32 $0xFFFFB000  }
0xeb: {  	[hbm4b:s7+s4] =	stream.linear.scatter [tilespmem:s12], [sflag:$0x4], $0x5000, $0x38;
	[tilespmem:$0xA080] =	vst v63  }
0xec: {  	_ =	swait.ge [sflag:s11], $0x5000  }
0xed: {  	[sflag:s11] =	ssyncset.done $0x0  }
0xee: {  	[sflag:s11] =	ssyncadd.s32 $0xFFFFB000  }
0xef: {  	[hbm4b:s8+s4] =	stream.linear.scatter [tilespmem:s25], [sflag:$0x4], $0x2800, $0x38;
	[tilespmem:$0xA080] =	vst v63  }
0xf0: {  	s28 =	sadd.s32 $0x1, s28;
	_ =	swait.ge [sflag:s11], $0x2800  }
0xf1: {  	p0 =	sne.s32 s28, s10;
	[sflag:s11] =	ssyncset.done $0x0  }
.Ltmp2:
0xf2: {  	[sflag:s11] =	ssyncadd.s32 $0xFFFFD800;
	(pc) =	sbr.rel @p0 .LBB2_1-.Ltmp2, $4  }
0xf3: {  	[hbm4b:s9+s4] =	stream.linear.scatter [tilespmem:s26], [sflag:$0x4], $0x2800, $0x38;
	[tilespmem:$0xA080] =	vst v63  }
0xf4: {  	_ =	swait.ge [sflag:s11], $0x2800  }
0xf5: {  	[sflag:s11] =	ssyncset.done $0x0  }
0xf6: {  	[sflag:s11] =	ssyncadd.s32 $0xFFFFD800  }
0xf7: {  	_ =	sfence.sel $0x180000  }
0xf8: {  	[bflag:$0x0] =	sbarrier.arrive $0xFFFF  }
0xf9: {  	_ =	strace $0x90000047  }
0xfa: {  	s0 =	stileid.u32;
	[bflag:$0x2] =	sbarrier.arrive $0xFFFF  }
0xfb: {  	p0 =	sne.s32 s0, $0x0;
	s0 =	rddreg [dreg:$0x3]  }
0xfc: {  	s0 =	sadd.s32 @!p0 $0x100000, s0  }
0xfd: {  	[sflag:s0] =	ssyncadd.tile.s32 @!p0 $0x1;
	_ =	shalt  }
.Lfunc_end2:
_tile_overlayer_lowered:
.L_overlay_start_2:
0xfe: {  	(tag) =	ssettag $0x2  }
0xff: {  	s0 =	rddreg [dreg:$0x0];
	s2 =	stileid.u32  }
0x100: {  	s1 =	rddreg [dreg:$0x1];
	p0 =	sne.s32 s2, $0x0  }
0x101: {  	s3 =	rddreg [dreg:$0x2];
	[bflag:$0x3] =	sbarrier.arrive $0xFFFF;
	s2 =	simm.s32 @!p0 $0x1C04  }
0x102: {  	[timem:s3], [sflag:s2] =	dma.local @!p0 [hbm:s0], s1  }
0x103: {  	s0 =	simm.s32 @!p0 $0x4  }
0x104: {  	_ =	swait.ge @!p0 [sflag:s0], s1  }
0x105: {  	s1 =	ssub.s32 @!p0 $0x0, s1;
	[sflag:s0] =	ssyncset.done @!p0 $0x0  }
0x106: {  	[sflag:s0] =	ssyncadd.s32 @!p0 s1  }
0x107: {  	[bflag:$0x3] =	sbarrier.arrive $0xFFFF  }
0x108: {  	_ =	shalt  }

</sc_bundles>
